<compile_context>
chip_gen: v7x
topology: tpu7x:2x2x1
jax: 0.10.2.dev20260603
libtpu: 0.0.44.dev20260713+nightly
codegen_flags: <defaults>
</compile_context>

<pallas_src>
import jax
import jax.numpy as jnp
from jax import lax
from jax.experimental import pallas as pl
from jax.experimental.pallas import tpu as pltpu
from jax.experimental.pallas import tpu_sc as plsc

EMBED_DIM = 32
NC = 2
NS = 16
NW = NC * NS
ST = 25
BT = 128
TILES = ST * BT
TPW = TILES // NW
NU = 2 * TPW
ROWS_U = 512


def _body(rel5_hbm, table_hbm, out5_hbm, idx_v, rows_v, trans_v,
          sem_i, sem_g, sem_o):
    wid = lax.axis_index("s") * NC + lax.axis_index("c")
    tile0 = wid * TPW

    iota16 = lax.iota(jnp.int32, 16)

    def unit_addr(k):
        tile = tile0 + k // 2
        st = tile // BT
        bt = tile % BT
        s0 = st * 8 + (k % 2) * 4
        return st, bt, s0

    def idx_slice(k):
        st, bt, _ = unit_addr(k)
        return rel5_hbm.at[st, bt, pl.ds((k % 2) * 4, 4), :]

    def fire_idx(k, b):
        pltpu.async_copy(idx_slice(k), idx_v.at[b], sem_i.at[b])

    def wait_idx(k, b):
        pltpu.make_async_copy(idx_slice(k), idx_v.at[b], sem_i.at[b]).wait()

    def fire_gathers(b):
        for si in range(4):
            pltpu.async_copy(
                table_hbm.at[idx_v.at[b, si]],
                rows_v.at[b, pl.ds(si * 128, 128), :],
                sem_g.at[b],
            )

    def drain_gathers(b):
        pltpu.make_async_copy(
            table_hbm.at[pl.ds(0, ROWS_U), :], rows_v.at[b], sem_g.at[b]
        ).wait()

    def fire_writes(k, b):
        _, bt, s0 = unit_addr(k)
        for et in range(4):
            pltpu.async_copy(
                trans_v.at[b, et],
                out5_hbm.at[pl.ds(s0, 4), et, bt, :, :],
                sem_o.at[b],
            )

    def drain_writes(b):
        pltpu.make_async_copy(
            out5_hbm.at[pl.ds(0, 4), :, 0, :, :], trans_v.at[b], sem_o.at[b]
        ).wait()

    def transpose(b):
        def tbody(i):
            sig = i // 32
            e = i % 32
            si = sig // 8
            g = sig % 8
            et = e // 8
            ei = e % 8
            row = iota16 + sig * 16
            col = jnp.full((16,), 0, jnp.int32) + e
            val = plsc.load_gather(rows_v.at[b], [row, col])
            trans_v[b, et, si, ei, pl.ds(g * 16, 16)] = val

        plsc.parallel_loop(0, 1024, 1, unroll=8)(tbody)

    pltpu.sync_copy(idx_slice(0), idx_v.at[0])
    fire_gathers(0)
    fire_idx(1, 1)

    def step(j, carry):
        k0 = 2 * j
        drain_gathers(0)

        @pl.when(j >= 1)
        def _():
            drain_writes(0)

        wait_idx(k0 + 1, 1)
        fire_gathers(1)

        @pl.when(k0 + 2 < NU)
        def _():
            fire_idx(k0 + 2, 0)

        transpose(0)
        fire_writes(k0, 0)

        k1 = k0 + 1
        drain_gathers(1)

        @pl.when(j >= 1)
        def _():
            drain_writes(1)

        @pl.when(k1 + 1 < NU)
        def _():
            wait_idx(k1 + 1, 0)
            fire_gathers(0)

        @pl.when(k1 + 2 < NU)
        def _():
            fire_idx(k1 + 2, 1)

        transpose(1)
        fire_writes(k1, 1)
        return carry

    lax.fori_loop(0, NU // 2, step, 0)

    drain_writes(0)
    drain_writes(1)


@jax.jit
def _gather5(rel5, table):
    mesh = plsc.VectorSubcoreMesh(core_axis_name="c", subcore_axis_name="s")
    k = pl.kernel(
        _body,
        out_type=jax.ShapeDtypeStruct((200, 4, 128, 8, 128), jnp.float32),
        mesh=mesh,
        scratch_types=[
            pltpu.VMEM((2, 4, 128), jnp.int32),
            pltpu.VMEM((2, ROWS_U, EMBED_DIM), jnp.float32),
            pltpu.VMEM((2, 4, 4, 8, 128), jnp.float32),
            pltpu.SemaphoreType.DMA((2,)),
            pltpu.SemaphoreType.DMA((2,)),
            pltpu.SemaphoreType.DMA((2,)),
        ],
        compiler_params=pltpu.CompilerParams(
            use_tc_tiling_on_sc=False, needs_layout_passes=False
        ),
    )
    return k(rel5, table)


def kernel(relation, table):
    rel5 = relation.reshape(128, 128, 25, 8).transpose(2, 0, 3, 1)
    out5 = _gather5(rel5.astype(jnp.int32), table)
    return out5.transpose(2, 4, 0, 1, 3).reshape(16384, 200, 32)

# --- scband reference (transcript-rebuilt; emitter-appended) ---
"""Pipeline reference for scband-relation-embedding-61306363183614 (READ-ONLY COPY).

The authoritative reference and input builder live on the scoring server;
editing this copy changes nothing except your own understanding.
"""

import jax, jax.numpy as jnp
import numpy as np

NUM_RELATIONS = 1000000
EMBED_DIM = 32

def setup_inputs(seed: int = 0) -> dict:
    key = jax.random.key(seed)
    k1, k2 = jax.random.split(key)
    relation = jax.random.randint(k1, (16384, 200), 0, NUM_RELATIONS, dtype=jnp.int64 if jax.config.jax_enable_x64 else jnp.int32)
    table = jax.random.normal(k2, (NUM_RELATIONS, EMBED_DIM), dtype=jnp.float32)
    return {"relation": relation, "table": table}

def reference(relation, table):
    # Faithful translation of RelationEmbedding.forward with to='nn_embed':
    # relation = relation.long(); embedded = self.embedding(relation)
    relation = relation.astype(jnp.int32)
    embedded = jnp.take(table, relation, axis=0)
    return embedded

if __name__ == "__main__":
    import jax
    _d = setup_inputs()
    print(jax.jit(kernel)(*tuple(_d.values())))

</pallas_src>

<mosaic_0001>
#map = affine_map<(d0, d1) -> (0, 0, 0, 0)>
#map1 = affine_map<(d0, d1) -> (0, 0)>
#map2 = affine_map<(d0, d1) -> (0, 0, 0, 0, 0)>
module attributes {stable_mosaic.version = 14 : i64} {
  func.func @_body(%arg0: i32, %arg1: i32, %arg2: memref<25x128x8x128xi32, #tpu.memory_space<hbm>>, %arg3: memref<1000000x32xf32, #tpu.memory_space<hbm>>, %arg4: memref<200x4x128x8x128xf32, #tpu.memory_space<hbm>>, %arg5: memref<2x4x128xi32, #tpu.memory_space<vmem>>, %arg6: memref<2x512x32xf32, #tpu.memory_space<vmem>>, %arg7: memref<2x4x4x8x128xf32, #tpu.memory_space<vmem>>, %arg8: memref<2x!tpu.dma_semaphore, #tpu.memory_space<semaphore_mem>>, %arg9: memref<2x!tpu.dma_semaphore, #tpu.memory_space<semaphore_mem>>, %arg10: memref<2x!tpu.dma_semaphore, #tpu.memory_space<semaphore_mem>>) attributes {dimension_semantics = [#tpu.dimension_semantics<core_parallel>, #tpu.dimension_semantics<subcore_parallel>], iteration_bounds = array<i64: 2, 16>, scalar_prefetch = 0 : i64, scratch_operands = 6 : i64, tpu.core_type = #tpu.core_type<sc_vector_subcore>, window_params = [{transform_indices = #map}, {transform_indices = #map1}, {transform_indices = #map2}]} {
    %mul3A = arith.constant 2 : i32
    %mul3A_0 = arith.muli %arg1, %mul3A : i32
    %add3A = arith.addi %mul3A_0, %arg0 : i32
    %mul3A_1 = arith.constant 100 : i32
    %mul3A_2 = arith.muli %add3A, %mul3A_1 : i32
    %iota3A = tpu.iota {dimensions = array<i32: 0>} : vector<16xi32>
    %add3A_3 = arith.constant 0 : i32
    %add3A_4 = arith.addi %mul3A_2, %add3A_3 : i32
    %jit3A = arith.constant 128 : i32
    %div3A = arith.divsi %add3A_4, %jit3A : i32
    %sign3A = arith.constant 0 : i32
    %sign3A_5 = arith.cmpi sgt, %add3A_4, %sign3A : i32
    %sign3A_6 = arith.extui %sign3A_5 : i1 to i32
    %sign3A_7 = arith.constant 0 : i32
    %sign3A_8 = arith.cmpi slt, %add3A_4, %sign3A_7 : i32
    %sign3A_9 = arith.extui %sign3A_8 : i1 to i32
    %sign3A_10 = arith.subi %sign3A_6, %sign3A_9 : i32
    %sign3A_11 = arith.constant 0 : i32
    %sign3A_12 = arith.cmpi sgt, %jit3A, %sign3A_11 : i32
    %sign3A_13 = arith.extui %sign3A_12 : i1 to i32
    %sign3A_14 = arith.constant 0 : i32
    %sign3A_15 = arith.cmpi slt, %jit3A, %sign3A_14 : i32
    %sign3A_16 = arith.extui %sign3A_15 : i1 to i32
    %sign3A_17 = arith.subi %sign3A_13, %sign3A_16 : i32
    %ne3A = arith.cmpi ne, %sign3A_10, %sign3A_17 : i32
    %rem3A = arith.remsi %add3A_4, %jit3A : i32
    %ne3A_18 = arith.constant 0 : i32
    %ne3A_19 = arith.cmpi ne, %rem3A, %ne3A_18 : i32
    %and3A = arith.andi %ne3A, %ne3A_19 : i1
    %sub3A = arith.constant 1 : i32
    %sub3A_20 = arith.subi %div3A, %sub3A : i32
    %select_n3A = arith.select %and3A, %sub3A_20, %div3A : i32
    %jit3A_21 = arith.constant 128 : i32
    %eq3A = arith.constant 0 : i32
    %eq3A_22 = arith.cmpi eq, %jit3A_21, %eq3A : i32
    %jit3A_23 = arith.constant 1 : i32
    %select_n3A_24 = arith.select %eq3A_22, %jit3A_23, %jit3A_21 : i32
    %rem3A_25 = arith.remsi %add3A_4, %select_n3A_24 : i32
    %ne3A_26 = arith.constant 0 : i32
    %ne3A_27 = arith.cmpi ne, %rem3A_25, %ne3A_26 : i32
    %lt3A = arith.constant 0 : i32
    %lt3A_28 = arith.cmpi slt, %rem3A_25, %lt3A : i32
    %lt3A_29 = arith.constant 0 : i32
    %lt3A_30 = arith.cmpi slt, %select_n3A_24, %lt3A_29 : i32
    %ne3A_31 = arith.xori %lt3A_28, %lt3A_30 : i1
    %and3A_32 = arith.andi %ne3A_31, %ne3A_27 : i1
    %add3A_33 = arith.addi %rem3A_25, %select_n3A_24 : i32
    %select_n3A_34 = arith.select %and3A_32, %add3A_33, %rem3A_25 : i32
    %mul3A_35 = arith.constant 8 : i32
    %mul3A_36 = arith.muli %select_n3A, %mul3A_35 : i32
    %add3A_37 = arith.constant 0 : i32
    %add3A_38 = arith.addi %mul3A_36, %add3A_37 : i32
    %run_scoped3A = arith.constant 0 : i32
    "tpu.region"() ({
      %run_scoped3A_230 = tpu.sem_alloc : memref<!tpu.dma_semaphore, #tpu.memory_space<semaphore_mem>>
      %dma_start3A_231 = arith.constant 0 : i32
      %dma_start3A_232 = arith.constant 0 : i32
      %dma_start3A_233 = tpu.memref_slice %arg5[%run_scoped3A, %dma_start3A_231, %dma_start3A_232] : memref<2x4x128xi32, #tpu.memory_space<vmem>> -> memref<1x4x128xi32, #tpu.memory_space<vmem>>
      %dma_start3A_234 = tpu.memref_squeeze %dma_start3A_233 : memref<1x4x128xi32, #tpu.memory_space<vmem>> -> memref<4x128xi32, #tpu.memory_space<vmem>>
      %dma_start3A_235 = arith.constant 0 : i32
      %dma_start3A_236 = arith.constant 0 : i32
      %dma_start3A_237 = tpu.memref_slice %arg2[%select_n3A, %select_n3A_34, %dma_start3A_235, %dma_start3A_236] : memref<25x128x8x128xi32, #tpu.memory_space<hbm>> -> memref<1x1x4x128xi32, #tpu.memory_space<hbm>>
      %dma_start3A_238 = tpu.memref_squeeze %dma_start3A_237 : memref<1x1x4x128xi32, #tpu.memory_space<hbm>> -> memref<4x128xi32, #tpu.memory_space<hbm>>
      %dma_start3A_239 = arith.constant 0 : i32
      %dma_start3A_240 = arith.constant 0 : i32
      %dma_start3A_241 = tpu.memref_slice %arg5[%run_scoped3A, %dma_start3A_239, %dma_start3A_240] : memref<2x4x128xi32, #tpu.memory_space<vmem>> -> memref<1x4x128xi32, #tpu.memory_space<vmem>>
      %dma_start3A_242 = tpu.memref_squeeze %dma_start3A_241 : memref<1x4x128xi32, #tpu.memory_space<vmem>> -> memref<4x128xi32, #tpu.memory_space<vmem>>
      %dma_start3A_243 = arith.constant 0 : i32
      %dma_start3A_244 = arith.constant 0 : i32
      %dma_start3A_245 = tpu.memref_slice %arg2[%select_n3A, %select_n3A_34, %dma_start3A_243, %dma_start3A_244] : memref<25x128x8x128xi32, #tpu.memory_space<hbm>> -> memref<1x1x4x128xi32, #tpu.memory_space<hbm>>
      %dma_start3A_246 = tpu.memref_squeeze %dma_start3A_245 : memref<1x1x4x128xi32, #tpu.memory_space<hbm>> -> memref<4x128xi32, #tpu.memory_space<hbm>>
      tpu.enqueue_dma source(%dma_start3A_246 : memref<4x128xi32, #tpu.memory_space<hbm>>) target(%dma_start3A_242 : memref<4x128xi32, #tpu.memory_space<vmem>>) target_semaphore(%run_scoped3A_230 : memref<!tpu.dma_semaphore, #tpu.memory_space<semaphore_mem>>)
      %dma_wait3A_247 = arith.constant 0 : i32
      %dma_wait3A_248 = arith.constant 0 : i32
      %dma_wait3A_249 = tpu.memref_slice %arg5[%run_scoped3A, %dma_wait3A_247, %dma_wait3A_248] : memref<2x4x128xi32, #tpu.memory_space<vmem>> -> memref<1x4x128xi32, #tpu.memory_space<vmem>>
      %dma_wait3A_250 = tpu.memref_squeeze %dma_wait3A_249 : memref<1x4x128xi32, #tpu.memory_space<vmem>> -> memref<4x128xi32, #tpu.memory_space<vmem>>
      %dma_wait3A_251 = arith.constant 0 : i32
      %dma_wait3A_252 = arith.constant 0 : i32
      %dma_wait3A_253 = tpu.memref_slice %arg2[%select_n3A, %select_n3A_34, %dma_wait3A_251, %dma_wait3A_252] : memref<25x128x8x128xi32, #tpu.memory_space<hbm>> -> memref<1x1x4x128xi32, #tpu.memory_space<hbm>>
      %dma_wait3A_254 = tpu.memref_squeeze %dma_wait3A_253 : memref<1x1x4x128xi32, #tpu.memory_space<hbm>> -> memref<4x128xi32, #tpu.memory_space<hbm>>
      %dma_wait3A_255 = arith.constant 0 : i32
      %dma_wait3A_256 = arith.constant 0 : i32
      %dma_wait3A_257 = tpu.memref_slice %arg5[%run_scoped3A, %dma_wait3A_255, %dma_wait3A_256] : memref<2x4x128xi32, #tpu.memory_space<vmem>> -> memref<1x4x128xi32, #tpu.memory_space<vmem>>
      %dma_wait3A_258 = tpu.memref_squeeze %dma_wait3A_257 : memref<1x4x128xi32, #tpu.memory_space<vmem>> -> memref<4x128xi32, #tpu.memory_space<vmem>>
      %dma_wait3A_259 = arith.constant 0 : i32
      %dma_wait3A_260 = arith.constant 0 : i32
      %dma_wait3A_261 = tpu.memref_slice %arg2[%select_n3A, %select_n3A_34, %dma_wait3A_259, %dma_wait3A_260] : memref<25x128x8x128xi32, #tpu.memory_space<hbm>> -> memref<1x1x4x128xi32, #tpu.memory_space<hbm>>
      %dma_wait3A_262 = tpu.memref_squeeze %dma_wait3A_261 : memref<1x1x4x128xi32, #tpu.memory_space<hbm>> -> memref<4x128xi32, #tpu.memory_space<hbm>>
      tpu.wait_dma2 semaphore(%run_scoped3A_230 : memref<!tpu.dma_semaphore, #tpu.memory_space<semaphore_mem>>) src(%dma_wait3A_262 : memref<4x128xi32, #tpu.memory_space<hbm>>) dst(%dma_wait3A_258 : memref<4x128xi32, #tpu.memory_space<vmem>>)
      tpu.yield
    }) : () -> ()
    %dma_start3A = arith.constant 0 : i32
    %dma_start3A_39 = arith.constant 0 : i32
    %dma_start3A_40 = arith.constant 0 : i32
    %dma_start3A_41 = arith.constant 0 : i32
    %dma_start3A_42 = arith.constant 0 : i32
    %dma_start3A_43 = arith.constant 0 : i32
    %dma_start3A_44 = tpu.memref_slice %arg6[%dma_start3A_40, %dma_start3A_42, %dma_start3A_43] : memref<2x512x32xf32, #tpu.memory_space<vmem>> -> memref<1x128x32xf32, #tpu.memory_space<vmem>>
    %dma_start3A_45 = tpu.memref_squeeze %dma_start3A_44 : memref<1x128x32xf32, #tpu.memory_space<vmem>> -> memref<128x32xf32, #tpu.memory_space<vmem>>
    %dma_start3A_46 = arith.constant 0 : i32
    %dma_start3A_47 = tpu.memref_slice %arg5[%dma_start3A, %dma_start3A_39, %dma_start3A_46] : memref<2x4x128xi32, #tpu.memory_space<vmem>> -> memref<1x1x128xi32, #tpu.memory_space<vmem>>
    %dma_start3A_48 = tpu.memref_squeeze %dma_start3A_47 : memref<1x1x128xi32, #tpu.memory_space<vmem>> -> memref<128xi32, #tpu.memory_space<vmem>>
    %dma_start3A_49 = arith.constant 0 : i32
    %dma_start3A_50 = arith.constant 0 : i32
    %dma_start3A_51 = tpu.memref_slice %arg3[%dma_start3A_49, %dma_start3A_50] : memref<1000000x32xf32, #tpu.memory_space<hbm>> -> memref<1000000x32xf32, #tpu.memory_space<hbm>>
    %dma_start3A_52 = tpu.memref_slice %arg9[%dma_start3A_41] : memref<2x!tpu.dma_semaphore, #tpu.memory_space<semaphore_mem>> -> memref<1x!tpu.dma_semaphore, #tpu.memory_space<semaphore_mem>>
    %dma_start3A_53 = tpu.memref_squeeze %dma_start3A_52 : memref<1x!tpu.dma_semaphore, #tpu.memory_space<semaphore_mem>> -> memref<!tpu.dma_semaphore, #tpu.memory_space<semaphore_mem>>
    tpu.enqueue_indirect_dma source(%dma_start3A_51 : memref<1000000x32xf32, #tpu.memory_space<hbm>>) target(%dma_start3A_45 : memref<128x32xf32, #tpu.memory_space<vmem>>) offsets(%dma_start3A_48 : memref<128xi32, #tpu.memory_space<vmem>>) semaphore(%dma_start3A_53 : memref<!tpu.dma_semaphore, #tpu.memory_space<semaphore_mem>>)
    %dma_start3A_54 = arith.constant 0 : i32
    %dma_start3A_55 = arith.constant 1 : i32
    %dma_start3A_56 = arith.constant 0 : i32
    %dma_start3A_57 = arith.constant 0 : i32
    %dma_start3A_58 = arith.constant 128 : i32
    %dma_start3A_59 = arith.constant 0 : i32
    %dma_start3A_60 = tpu.memref_slice %arg6[%dma_start3A_56, %dma_start3A_58, %dma_start3A_59] : memref<2x512x32xf32, #tpu.memory_space<vmem>> -> memref<1x128x32xf32, #tpu.memory_space<vmem>>
    %dma_start3A_61 = tpu.memref_squeeze %dma_start3A_60 : memref<1x128x32xf32, #tpu.memory_space<vmem>> -> memref<128x32xf32, #tpu.memory_space<vmem>>
    %dma_start3A_62 = arith.constant 0 : i32
    %dma_start3A_63 = tpu.memref_slice %arg5[%dma_start3A_54, %dma_start3A_55, %dma_start3A_62] : memref<2x4x128xi32, #tpu.memory_space<vmem>> -> memref<1x1x128xi32, #tpu.memory_space<vmem>>
    %dma_start3A_64 = tpu.memref_squeeze %dma_start3A_63 : memref<1x1x128xi32, #tpu.memory_space<vmem>> -> memref<128xi32, #tpu.memory_space<vmem>>
    %dma_start3A_65 = arith.constant 0 : i32
    %dma_start3A_66 = arith.constant 0 : i32
    %dma_start3A_67 = tpu.memref_slice %arg3[%dma_start3A_65, %dma_start3A_66] : memref<1000000x32xf32, #tpu.memory_space<hbm>> -> memref<1000000x32xf32, #tpu.memory_space<hbm>>
    %dma_start3A_68 = tpu.memref_slice %arg9[%dma_start3A_57] : memref<2x!tpu.dma_semaphore, #tpu.memory_space<semaphore_mem>> -> memref<1x!tpu.dma_semaphore, #tpu.memory_space<semaphore_mem>>
    %dma_start3A_69 = tpu.memref_squeeze %dma_start3A_68 : memref<1x!tpu.dma_semaphore, #tpu.memory_space<semaphore_mem>> -> memref<!tpu.dma_semaphore, #tpu.memory_space<semaphore_mem>>
    tpu.enqueue_indirect_dma source(%dma_start3A_67 : memref<1000000x32xf32, #tpu.memory_space<hbm>>) target(%dma_start3A_61 : memref<128x32xf32, #tpu.memory_space<vmem>>) offsets(%dma_start3A_64 : memref<128xi32, #tpu.memory_space<vmem>>) semaphore(%dma_start3A_69 : memref<!tpu.dma_semaphore, #tpu.memory_space<semaphore_mem>>)
    %dma_start3A_70 = arith.constant 0 : i32
    %dma_start3A_71 = arith.constant 2 : i32
    %dma_start3A_72 = arith.constant 0 : i32
    %dma_start3A_73 = arith.constant 0 : i32
    %dma_start3A_74 = arith.constant 256 : i32
    %dma_start3A_75 = arith.constant 0 : i32
    %dma_start3A_76 = tpu.memref_slice %arg6[%dma_start3A_72, %dma_start3A_74, %dma_start3A_75] : memref<2x512x32xf32, #tpu.memory_space<vmem>> -> memref<1x128x32xf32, #tpu.memory_space<vmem>>
    %dma_start3A_77 = tpu.memref_squeeze %dma_start3A_76 : memref<1x128x32xf32, #tpu.memory_space<vmem>> -> memref<128x32xf32, #tpu.memory_space<vmem>>
    %dma_start3A_78 = arith.constant 0 : i32
    %dma_start3A_79 = tpu.memref_slice %arg5[%dma_start3A_70, %dma_start3A_71, %dma_start3A_78] : memref<2x4x128xi32, #tpu.memory_space<vmem>> -> memref<1x1x128xi32, #tpu.memory_space<vmem>>
    %dma_start3A_80 = tpu.memref_squeeze %dma_start3A_79 : memref<1x1x128xi32, #tpu.memory_space<vmem>> -> memref<128xi32, #tpu.memory_space<vmem>>
    %dma_start3A_81 = arith.constant 0 : i32
    %dma_start3A_82 = arith.constant 0 : i32
    %dma_start3A_83 = tpu.memref_slice %arg3[%dma_start3A_81, %dma_start3A_82] : memref<1000000x32xf32, #tpu.memory_space<hbm>> -> memref<1000000x32xf32, #tpu.memory_space<hbm>>
    %dma_start3A_84 = tpu.memref_slice %arg9[%dma_start3A_73] : memref<2x!tpu.dma_semaphore, #tpu.memory_space<semaphore_mem>> -> memref<1x!tpu.dma_semaphore, #tpu.memory_space<semaphore_mem>>
    %dma_start3A_85 = tpu.memref_squeeze %dma_start3A_84 : memref<1x!tpu.dma_semaphore, #tpu.memory_space<semaphore_mem>> -> memref<!tpu.dma_semaphore, #tpu.memory_space<semaphore_mem>>
    tpu.enqueue_indirect_dma source(%dma_start3A_83 : memref<1000000x32xf32, #tpu.memory_space<hbm>>) target(%dma_start3A_77 : memref<128x32xf32, #tpu.memory_space<vmem>>) offsets(%dma_start3A_80 : memref<128xi32, #tpu.memory_space<vmem>>) semaphore(%dma_start3A_85 : memref<!tpu.dma_semaphore, #tpu.memory_space<semaphore_mem>>)
    %dma_start3A_86 = arith.constant 0 : i32
    %dma_start3A_87 = arith.constant 3 : i32
    %dma_start3A_88 = arith.constant 0 : i32
    %dma_start3A_89 = arith.constant 0 : i32
    %dma_start3A_90 = arith.constant 384 : i32
    %dma_start3A_91 = arith.constant 0 : i32
    %dma_start3A_92 = tpu.memref_slice %arg6[%dma_start3A_88, %dma_start3A_90, %dma_start3A_91] : memref<2x512x32xf32, #tpu.memory_space<vmem>> -> memref<1x128x32xf32, #tpu.memory_space<vmem>>
    %dma_start3A_93 = tpu.memref_squeeze %dma_start3A_92 : memref<1x128x32xf32, #tpu.memory_space<vmem>> -> memref<128x32xf32, #tpu.memory_space<vmem>>
    %dma_start3A_94 = arith.constant 0 : i32
    %dma_start3A_95 = tpu.memref_slice %arg5[%dma_start3A_86, %dma_start3A_87, %dma_start3A_94] : memref<2x4x128xi32, #tpu.memory_space<vmem>> -> memref<1x1x128xi32, #tpu.memory_space<vmem>>
    %dma_start3A_96 = tpu.memref_squeeze %dma_start3A_95 : memref<1x1x128xi32, #tpu.memory_space<vmem>> -> memref<128xi32, #tpu.memory_space<vmem>>
    %dma_start3A_97 = arith.constant 0 : i32
    %dma_start3A_98 = arith.constant 0 : i32
    %dma_start3A_99 = tpu.memref_slice %arg3[%dma_start3A_97, %dma_start3A_98] : memref<1000000x32xf32, #tpu.memory_space<hbm>> -> memref<1000000x32xf32, #tpu.memory_space<hbm>>
    %dma_start3A_100 = tpu.memref_slice %arg9[%dma_start3A_89] : memref<2x!tpu.dma_semaphore, #tpu.memory_space<semaphore_mem>> -> memref<1x!tpu.dma_semaphore, #tpu.memory_space<semaphore_mem>>
    %dma_start3A_101 = tpu.memref_squeeze %dma_start3A_100 : memref<1x!tpu.dma_semaphore, #tpu.memory_space<semaphore_mem>> -> memref<!tpu.dma_semaphore, #tpu.memory_space<semaphore_mem>>
    tpu.enqueue_indirect_dma source(%dma_start3A_99 : memref<1000000x32xf32, #tpu.memory_space<hbm>>) target(%dma_start3A_93 : memref<128x32xf32, #tpu.memory_space<vmem>>) offsets(%dma_start3A_96 : memref<128xi32, #tpu.memory_space<vmem>>) semaphore(%dma_start3A_101 : memref<!tpu.dma_semaphore, #tpu.memory_space<semaphore_mem>>)
    %add3A_102 = arith.constant 0 : i32
    %add3A_103 = arith.addi %mul3A_2, %add3A_102 : i32
    %jit3A_104 = arith.constant 128 : i32
    %div3A_105 = arith.divsi %add3A_103, %jit3A_104 : i32
    %sign3A_106 = arith.constant 0 : i32
    %sign3A_107 = arith.cmpi sgt, %add3A_103, %sign3A_106 : i32
    %sign3A_108 = arith.extui %sign3A_107 : i1 to i32
    %sign3A_109 = arith.constant 0 : i32
    %sign3A_110 = arith.cmpi slt, %add3A_103, %sign3A_109 : i32
    %sign3A_111 = arith.extui %sign3A_110 : i1 to i32
    %sign3A_112 = arith.subi %sign3A_108, %sign3A_111 : i32
    %sign3A_113 = arith.constant 0 : i32
    %sign3A_114 = arith.cmpi sgt, %jit3A_104, %sign3A_113 : i32
    %sign3A_115 = arith.extui %sign3A_114 : i1 to i32
    %sign3A_116 = arith.constant 0 : i32
    %sign3A_117 = arith.cmpi slt, %jit3A_104, %sign3A_116 : i32
    %sign3A_118 = arith.extui %sign3A_117 : i1 to i32
    %sign3A_119 = arith.subi %sign3A_115, %sign3A_118 : i32
    %ne3A_120 = arith.cmpi ne, %sign3A_112, %sign3A_119 : i32
    %rem3A_121 = arith.remsi %add3A_103, %jit3A_104 : i32
    %ne3A_122 = arith.constant 0 : i32
    %ne3A_123 = arith.cmpi ne, %rem3A_121, %ne3A_122 : i32
    %and3A_124 = arith.andi %ne3A_120, %ne3A_123 : i1
    %sub3A_125 = arith.constant 1 : i32
    %sub3A_126 = arith.subi %div3A_105, %sub3A_125 : i32
    %select_n3A_127 = arith.select %and3A_124, %sub3A_126, %div3A_105 : i32
    %jit3A_128 = arith.constant 128 : i32
    %eq3A_129 = arith.constant 0 : i32
    %eq3A_130 = arith.cmpi eq, %jit3A_128, %eq3A_129 : i32
    %jit3A_131 = arith.constant 1 : i32
    %select_n3A_132 = arith.select %eq3A_130, %jit3A_131, %jit3A_128 : i32
    %rem3A_133 = arith.remsi %add3A_103, %select_n3A_132 : i32
    %ne3A_134 = arith.constant 0 : i32
    %ne3A_135 = arith.cmpi ne, %rem3A_133, %ne3A_134 : i32
    %lt3A_136 = arith.constant 0 : i32
    %lt3A_137 = arith.cmpi slt, %rem3A_133, %lt3A_136 : i32
    %lt3A_138 = arith.constant 0 : i32
    %lt3A_139 = arith.cmpi slt, %select_n3A_132, %lt3A_138 : i32
    %ne3A_140 = arith.xori %lt3A_137, %lt3A_139 : i1
    %and3A_141 = arith.andi %ne3A_140, %ne3A_135 : i1
    %add3A_142 = arith.addi %rem3A_133, %select_n3A_132 : i32
    %select_n3A_143 = arith.select %and3A_141, %add3A_142, %rem3A_133 : i32
    %mul3A_144 = arith.constant 8 : i32
    %mul3A_145 = arith.muli %select_n3A_127, %mul3A_144 : i32
    %add3A_146 = arith.constant 4 : i32
    %add3A_147 = arith.addi %mul3A_145, %add3A_146 : i32
    %dma_start3A_148 = arith.constant 1 : i32
    %dma_start3A_149 = arith.constant 1 : i32
    %dma_start3A_150 = arith.constant 0 : i32
    %dma_start3A_151 = arith.constant 0 : i32
    %dma_start3A_152 = tpu.memref_slice %arg5[%dma_start3A_148, %dma_start3A_150, %dma_start3A_151] : memref<2x4x128xi32, #tpu.memory_space<vmem>> -> memref<1x4x128xi32, #tpu.memory_space<vmem>>
    %dma_start3A_153 = tpu.memref_squeeze %dma_start3A_152 : memref<1x4x128xi32, #tpu.memory_space<vmem>> -> memref<4x128xi32, #tpu.memory_space<vmem>>
    %dma_start3A_154 = arith.constant 4 : i32
    %dma_start3A_155 = arith.constant 0 : i32
    %dma_start3A_156 = tpu.memref_slice %arg2[%select_n3A_127, %select_n3A_143, %dma_start3A_154, %dma_start3A_155] : memref<25x128x8x128xi32, #tpu.memory_space<hbm>> -> memref<1x1x4x128xi32, #tpu.memory_space<hbm>>
    %dma_start3A_157 = tpu.memref_squeeze %dma_start3A_156 : memref<1x1x4x128xi32, #tpu.memory_space<hbm>> -> memref<4x128xi32, #tpu.memory_space<hbm>>
    %dma_start3A_158 = tpu.memref_slice %arg8[%dma_start3A_149] : memref<2x!tpu.dma_semaphore, #tpu.memory_space<semaphore_mem>> -> memref<1x!tpu.dma_semaphore, #tpu.memory_space<semaphore_mem>>
    %dma_start3A_159 = tpu.memref_squeeze %dma_start3A_158 : memref<1x!tpu.dma_semaphore, #tpu.memory_space<semaphore_mem>> -> memref<!tpu.dma_semaphore, #tpu.memory_space<semaphore_mem>>
    %dma_start3A_160 = arith.constant 0 : i32
    %dma_start3A_161 = arith.constant 0 : i32
    %dma_start3A_162 = tpu.memref_slice %arg5[%dma_start3A_148, %dma_start3A_160, %dma_start3A_161] : memref<2x4x128xi32, #tpu.memory_space<vmem>> -> memref<1x4x128xi32, #tpu.memory_space<vmem>>
    %dma_start3A_163 = tpu.memref_squeeze %dma_start3A_162 : memref<1x4x128xi32, #tpu.memory_space<vmem>> -> memref<4x128xi32, #tpu.memory_space<vmem>>
    %dma_start3A_164 = arith.constant 4 : i32
    %dma_start3A_165 = arith.constant 0 : i32
    %dma_start3A_166 = tpu.memref_slice %arg2[%select_n3A_127, %select_n3A_143, %dma_start3A_164, %dma_start3A_165] : memref<25x128x8x128xi32, #tpu.memory_space<hbm>> -> memref<1x1x4x128xi32, #tpu.memory_space<hbm>>
    %dma_start3A_167 = tpu.memref_squeeze %dma_start3A_166 : memref<1x1x4x128xi32, #tpu.memory_space<hbm>> -> memref<4x128xi32, #tpu.memory_space<hbm>>
    tpu.enqueue_dma source(%dma_start3A_167 : memref<4x128xi32, #tpu.memory_space<hbm>>) target(%dma_start3A_163 : memref<4x128xi32, #tpu.memory_space<vmem>>) target_semaphore(%dma_start3A_159 : memref<!tpu.dma_semaphore, #tpu.memory_space<semaphore_mem>>)
    %scan3A = arith.constant 0 : i32
    %scan3A_168 = arith.constant 0 : i32
    %scan3A_169 = arith.constant 100 : i32
    %scan3A_170 = arith.addi %scan3A_168, %scan3A_169 : i32
    %scan3A_171 = arith.constant 1 : i32
    scf.for %scan3A_230 = %scan3A_168 to %scan3A_170 step %scan3A_171  : i32 {
      %mul3A_231 = arith.constant 2 : i32
      %mul3A_232 = arith.muli %mul3A_231, %scan3A_230 : i32
      %dma_wait3A_233 = arith.constant 0 : i32
      %dma_wait3A_234 = arith.constant 0 : i32
      %dma_wait3A_235 = arith.constant 0 : i32
      %dma_wait3A_236 = arith.constant 0 : i32
      %dma_wait3A_237 = tpu.memref_slice %arg6[%dma_wait3A_233, %dma_wait3A_235, %dma_wait3A_236] : memref<2x512x32xf32, #tpu.memory_space<vmem>> -> memref<1x512x32xf32, #tpu.memory_space<vmem>>
      %dma_wait3A_238 = tpu.memref_squeeze %dma_wait3A_237 : memref<1x512x32xf32, #tpu.memory_space<vmem>> -> memref<512x32xf32, #tpu.memory_space<vmem>>
      %dma_wait3A_239 = arith.constant 0 : i32
      %dma_wait3A_240 = arith.constant 0 : i32
      %dma_wait3A_241 = tpu.memref_slice %arg3[%dma_wait3A_239, %dma_wait3A_240] : memref<1000000x32xf32, #tpu.memory_space<hbm>> -> memref<512x32xf32, #tpu.memory_space<hbm>>
      %dma_wait3A_242 = tpu.memref_slice %arg9[%dma_wait3A_234] : memref<2x!tpu.dma_semaphore, #tpu.memory_space<semaphore_mem>> -> memref<1x!tpu.dma_semaphore, #tpu.memory_space<semaphore_mem>>
      %dma_wait3A_243 = tpu.memref_squeeze %dma_wait3A_242 : memref<1x!tpu.dma_semaphore, #tpu.memory_space<semaphore_mem>> -> memref<!tpu.dma_semaphore, #tpu.memory_space<semaphore_mem>>
      %dma_wait3A_244 = arith.constant 0 : i32
      %dma_wait3A_245 = arith.constant 0 : i32
      %dma_wait3A_246 = tpu.memref_slice %arg6[%dma_wait3A_233, %dma_wait3A_244, %dma_wait3A_245] : memref<2x512x32xf32, #tpu.memory_space<vmem>> -> memref<1x512x32xf32, #tpu.memory_space<vmem>>
      %dma_wait3A_247 = tpu.memref_squeeze %dma_wait3A_246 : memref<1x512x32xf32, #tpu.memory_space<vmem>> -> memref<512x32xf32, #tpu.memory_space<vmem>>
      %dma_wait3A_248 = arith.constant 0 : i32
      %dma_wait3A_249 = arith.constant 0 : i32
      %dma_wait3A_250 = tpu.memref_slice %arg3[%dma_wait3A_248, %dma_wait3A_249] : memref<1000000x32xf32, #tpu.memory_space<hbm>> -> memref<512x32xf32, #tpu.memory_space<hbm>>
      tpu.wait_dma2 semaphore(%dma_wait3A_243 : memref<!tpu.dma_semaphore, #tpu.memory_space<semaphore_mem>>) src(%dma_wait3A_250 : memref<512x32xf32, #tpu.memory_space<hbm>>) dst(%dma_wait3A_247 : memref<512x32xf32, #tpu.memory_space<vmem>>)
      %ge3A = arith.constant 1 : i32
      %ge3A_251 = arith.cmpi sge, %scan3A_230, %ge3A : i32
      %convert_element_type3A = arith.extui %ge3A_251 : i1 to i32
      %cond3A = arith.constant 0 : i32
      %cond3A_252 = arith.cmpi ne, %convert_element_type3A, %cond3A : i32
      scf.if %cond3A_252 {
        %dma_wait3A_856 = arith.constant 0 : i32
        %dma_wait3A_857 = arith.constant 0 : i32
        %dma_wait3A_858 = arith.constant 0 : i32
        %dma_wait3A_859 = arith.constant 0 : i32
        %dma_wait3A_860 = arith.constant 0 : i32
        %dma_wait3A_861 = arith.constant 0 : i32
        %dma_wait3A_862 = arith.constant 0 : i32
        %dma_wait3A_863 = tpu.memref_slice %arg7[%dma_wait3A_857, %dma_wait3A_859, %dma_wait3A_860, %dma_wait3A_861, %dma_wait3A_862] : memref<2x4x4x8x128xf32, #tpu.memory_space<vmem>> -> memref<1x4x4x8x128xf32, #tpu.memory_space<vmem>>
        %dma_wait3A_864 = tpu.memref_squeeze %dma_wait3A_863 : memref<1x4x4x8x128xf32, #tpu.memory_space<vmem>> -> memref<4x4x8x128xf32, #tpu.memory_space<vmem>>
        %dma_wait3A_865 = arith.constant 0 : i32
        %dma_wait3A_866 = arith.constant 0 : i32
        %dma_wait3A_867 = arith.constant 0 : i32
        %dma_wait3A_868 = arith.constant 0 : i32
        %dma_wait3A_869 = tpu.memref_slice %arg4[%dma_wait3A_865, %dma_wait3A_866, %dma_wait3A_856, %dma_wait3A_867, %dma_wait3A_868] : memref<200x4x128x8x128xf32, #tpu.memory_space<hbm>> -> memref<4x4x1x8x128xf32, #tpu.memory_space<hbm>>
        %dma_wait3A_870 = tpu.memref_squeeze %dma_wait3A_869 : memref<4x4x1x8x128xf32, #tpu.memory_space<hbm>> -> memref<4x4x8x128xf32, #tpu.memory_space<hbm>>
        %dma_wait3A_871 = tpu.memref_slice %arg10[%dma_wait3A_858] : memref<2x!tpu.dma_semaphore, #tpu.memory_space<semaphore_mem>> -> memref<1x!tpu.dma_semaphore, #tpu.memory_space<semaphore_mem>>
        %dma_wait3A_872 = tpu.memref_squeeze %dma_wait3A_871 : memref<1x!tpu.dma_semaphore, #tpu.memory_space<semaphore_mem>> -> memref<!tpu.dma_semaphore, #tpu.memory_space<semaphore_mem>>
        %dma_wait3A_873 = arith.constant 0 : i32
        %dma_wait3A_874 = arith.constant 0 : i32
        %dma_wait3A_875 = arith.constant 0 : i32
        %dma_wait3A_876 = arith.constant 0 : i32
        %dma_wait3A_877 = tpu.memref_slice %arg7[%dma_wait3A_857, %dma_wait3A_873, %dma_wait3A_874, %dma_wait3A_875, %dma_wait3A_876] : memref<2x4x4x8x128xf32, #tpu.memory_space<vmem>> -> memref<1x4x4x8x128xf32, #tpu.memory_space<vmem>>
        %dma_wait3A_878 = tpu.memref_squeeze %dma_wait3A_877 : memref<1x4x4x8x128xf32, #tpu.memory_space<vmem>> -> memref<4x4x8x128xf32, #tpu.memory_space<vmem>>
        %dma_wait3A_879 = arith.constant 0 : i32
        %dma_wait3A_880 = arith.constant 0 : i32
        %dma_wait3A_881 = arith.constant 0 : i32
        %dma_wait3A_882 = arith.constant 0 : i32
        %dma_wait3A_883 = tpu.memref_slice %arg4[%dma_wait3A_879, %dma_wait3A_880, %dma_wait3A_856, %dma_wait3A_881, %dma_wait3A_882] : memref<200x4x128x8x128xf32, #tpu.memory_space<hbm>> -> memref<4x4x1x8x128xf32, #tpu.memory_space<hbm>>
        %dma_wait3A_884 = tpu.memref_squeeze %dma_wait3A_883 : memref<4x4x1x8x128xf32, #tpu.memory_space<hbm>> -> memref<4x4x8x128xf32, #tpu.memory_space<hbm>>
        tpu.wait_dma2 semaphore(%dma_wait3A_872 : memref<!tpu.dma_semaphore, #tpu.memory_space<semaphore_mem>>) src(%dma_wait3A_884 : memref<4x4x8x128xf32, #tpu.memory_space<hbm>>) dst(%dma_wait3A_878 : memref<4x4x8x128xf32, #tpu.memory_space<vmem>>)
      } else {
      }
      %add3A_253 = arith.constant 1 : i32
      %add3A_254 = arith.addi %mul3A_232, %add3A_253 : i32
      %jit3A_255 = arith.constant 2 : i32
      %div3A_256 = arith.divsi %add3A_254, %jit3A_255 : i32
      %sign3A_257 = arith.constant 0 : i32
      %sign3A_258 = arith.cmpi sgt, %add3A_254, %sign3A_257 : i32
      %sign3A_259 = arith.extui %sign3A_258 : i1 to i32
      %sign3A_260 = arith.constant 0 : i32
      %sign3A_261 = arith.cmpi slt, %add3A_254, %sign3A_260 : i32
      %sign3A_262 = arith.extui %sign3A_261 : i1 to i32
      %sign3A_263 = arith.subi %sign3A_259, %sign3A_262 : i32
      %sign3A_264 = arith.constant 0 : i32
      %sign3A_265 = arith.cmpi sgt, %jit3A_255, %sign3A_264 : i32
      %sign3A_266 = arith.extui %sign3A_265 : i1 to i32
      %sign3A_267 = arith.constant 0 : i32
      %sign3A_268 = arith.cmpi slt, %jit3A_255, %sign3A_267 : i32
      %sign3A_269 = arith.extui %sign3A_268 : i1 to i32
      %sign3A_270 = arith.subi %sign3A_266, %sign3A_269 : i32
      %ne3A_271 = arith.cmpi ne, %sign3A_263, %sign3A_270 : i32
      %rem3A_272 = arith.remsi %add3A_254, %jit3A_255 : i32
      %ne3A_273 = arith.constant 0 : i32
      %ne3A_274 = arith.cmpi ne, %rem3A_272, %ne3A_273 : i32
      %and3A_275 = arith.andi %ne3A_271, %ne3A_274 : i1
      %sub3A_276 = arith.constant 1 : i32
      %sub3A_277 = arith.subi %div3A_256, %sub3A_276 : i32
      %select_n3A_278 = arith.select %and3A_275, %sub3A_277, %div3A_256 : i32
      %add3A_279 = arith.addi %mul3A_2, %select_n3A_278 : i32
      %jit3A_280 = arith.constant 128 : i32
      %div3A_281 = arith.divsi %add3A_279, %jit3A_280 : i32
      %sign3A_282 = arith.constant 0 : i32
      %sign3A_283 = arith.cmpi sgt, %add3A_279, %sign3A_282 : i32
      %sign3A_284 = arith.extui %sign3A_283 : i1 to i32
      %sign3A_285 = arith.constant 0 : i32
      %sign3A_286 = arith.cmpi slt, %add3A_279, %sign3A_285 : i32
      %sign3A_287 = arith.extui %sign3A_286 : i1 to i32
      %sign3A_288 = arith.subi %sign3A_284, %sign3A_287 : i32
      %sign3A_289 = arith.constant 0 : i32
      %sign3A_290 = arith.cmpi sgt, %jit3A_280, %sign3A_289 : i32
      %sign3A_291 = arith.extui %sign3A_290 : i1 to i32
      %sign3A_292 = arith.constant 0 : i32
      %sign3A_293 = arith.cmpi slt, %jit3A_280, %sign3A_292 : i32
      %sign3A_294 = arith.extui %sign3A_293 : i1 to i32
      %sign3A_295 = arith.subi %sign3A_291, %sign3A_294 : i32
      %ne3A_296 = arith.cmpi ne, %sign3A_288, %sign3A_295 : i32
      %rem3A_297 = arith.remsi %add3A_279, %jit3A_280 : i32
      %ne3A_298 = arith.constant 0 : i32
      %ne3A_299 = arith.cmpi ne, %rem3A_297, %ne3A_298 : i32
      %and3A_300 = arith.andi %ne3A_296, %ne3A_299 : i1
      %sub3A_301 = arith.constant 1 : i32
      %sub3A_302 = arith.subi %div3A_281, %sub3A_301 : i32
      %select_n3A_303 = arith.select %and3A_300, %sub3A_302, %div3A_281 : i32
      %jit3A_304 = arith.constant 128 : i32
      %eq3A_305 = arith.constant 0 : i32
      %eq3A_306 = arith.cmpi eq, %jit3A_304, %eq3A_305 : i32
      %jit3A_307 = arith.constant 1 : i32
      %select_n3A_308 = arith.select %eq3A_306, %jit3A_307, %jit3A_304 : i32
      %rem3A_309 = arith.remsi %add3A_279, %select_n3A_308 : i32
      %ne3A_310 = arith.constant 0 : i32
      %ne3A_311 = arith.cmpi ne, %rem3A_309, %ne3A_310 : i32
      %lt3A_312 = arith.constant 0 : i32
      %lt3A_313 = arith.cmpi slt, %rem3A_309, %lt3A_312 : i32
      %lt3A_314 = arith.constant 0 : i32
      %lt3A_315 = arith.cmpi slt, %select_n3A_308, %lt3A_314 : i32
      %ne3A_316 = arith.xori %lt3A_313, %lt3A_315 : i1
      %and3A_317 = arith.andi %ne3A_316, %ne3A_311 : i1
      %add3A_318 = arith.addi %rem3A_309, %select_n3A_308 : i32
      %select_n3A_319 = arith.select %and3A_317, %add3A_318, %rem3A_309 : i32
      %mul3A_320 = arith.constant 8 : i32
      %mul3A_321 = arith.muli %select_n3A_303, %mul3A_320 : i32
      %jit3A_322 = arith.constant 2 : i32
      %eq3A_323 = arith.constant 0 : i32
      %eq3A_324 = arith.cmpi eq, %jit3A_322, %eq3A_323 : i32
      %jit3A_325 = arith.constant 1 : i32
      %select_n3A_326 = arith.select %eq3A_324, %jit3A_325, %jit3A_322 : i32
      %rem3A_327 = arith.remsi %add3A_254, %select_n3A_326 : i32
      %ne3A_328 = arith.constant 0 : i32
      %ne3A_329 = arith.cmpi ne, %rem3A_327, %ne3A_328 : i32
      %lt3A_330 = arith.constant 0 : i32
      %lt3A_331 = arith.cmpi slt, %rem3A_327, %lt3A_330 : i32
      %lt3A_332 = arith.constant 0 : i32
      %lt3A_333 = arith.cmpi slt, %select_n3A_326, %lt3A_332 : i32
      %ne3A_334 = arith.xori %lt3A_331, %lt3A_333 : i1
      %and3A_335 = arith.andi %ne3A_334, %ne3A_329 : i1
      %add3A_336 = arith.addi %rem3A_327, %select_n3A_326 : i32
      %select_n3A_337 = arith.select %and3A_335, %add3A_336, %rem3A_327 : i32
      %mul3A_338 = arith.constant 4 : i32
      %mul3A_339 = arith.muli %select_n3A_337, %mul3A_338 : i32
      %add3A_340 = arith.addi %mul3A_321, %mul3A_339 : i32
      %jit3A_341 = arith.constant 2 : i32
      %eq3A_342 = arith.constant 0 : i32
      %eq3A_343 = arith.cmpi eq, %jit3A_341, %eq3A_342 : i32
      %jit3A_344 = arith.constant 1 : i32
      %select_n3A_345 = arith.select %eq3A_343, %jit3A_344, %jit3A_341 : i32
      %rem3A_346 = arith.remsi %add3A_254, %select_n3A_345 : i32
      %ne3A_347 = arith.constant 0 : i32
      %ne3A_348 = arith.cmpi ne, %rem3A_346, %ne3A_347 : i32
      %lt3A_349 = arith.constant 0 : i32
      %lt3A_350 = arith.cmpi slt, %rem3A_346, %lt3A_349 : i32
      %lt3A_351 = arith.constant 0 : i32
      %lt3A_352 = arith.cmpi slt, %select_n3A_345, %lt3A_351 : i32
      %ne3A_353 = arith.xori %lt3A_350, %lt3A_352 : i1
      %and3A_354 = arith.andi %ne3A_353, %ne3A_348 : i1
      %add3A_355 = arith.addi %rem3A_346, %select_n3A_345 : i32
      %select_n3A_356 = arith.select %and3A_354, %add3A_355, %rem3A_346 : i32
      %mul3A_357 = arith.constant 4 : i32
      %mul3A_358 = arith.muli %select_n3A_356, %mul3A_357 : i32
      %dma_wait3A_359 = arith.constant 1 : i32
      %dma_wait3A_360 = arith.constant 1 : i32
      %dma_wait3A_361 = arith.constant 0 : i32
      %dma_wait3A_362 = arith.constant 0 : i32
      %dma_wait3A_363 = tpu.memref_slice %arg5[%dma_wait3A_359, %dma_wait3A_361, %dma_wait3A_362] : memref<2x4x128xi32, #tpu.memory_space<vmem>> -> memref<1x4x128xi32, #tpu.memory_space<vmem>>
      %dma_wait3A_364 = tpu.memref_squeeze %dma_wait3A_363 : memref<1x4x128xi32, #tpu.memory_space<vmem>> -> memref<4x128xi32, #tpu.memory_space<vmem>>
      %dma_wait3A_365 = arith.constant 0 : i32
      %dma_wait3A_366 = tpu.memref_slice %arg2[%select_n3A_303, %select_n3A_319, %mul3A_358, %dma_wait3A_365] : memref<25x128x8x128xi32, #tpu.memory_space<hbm>> -> memref<1x1x4x128xi32, #tpu.memory_space<hbm>>
      %dma_wait3A_367 = tpu.memref_squeeze %dma_wait3A_366 : memref<1x1x4x128xi32, #tpu.memory_space<hbm>> -> memref<4x128xi32, #tpu.memory_space<hbm>>
      %dma_wait3A_368 = tpu.memref_slice %arg8[%dma_wait3A_360] : memref<2x!tpu.dma_semaphore, #tpu.memory_space<semaphore_mem>> -> memref<1x!tpu.dma_semaphore, #tpu.memory_space<semaphore_mem>>
      %dma_wait3A_369 = tpu.memref_squeeze %dma_wait3A_368 : memref<1x!tpu.dma_semaphore, #tpu.memory_space<semaphore_mem>> -> memref<!tpu.dma_semaphore, #tpu.memory_space<semaphore_mem>>
      %dma_wait3A_370 = arith.constant 0 : i32
      %dma_wait3A_371 = arith.constant 0 : i32
      %dma_wait3A_372 = tpu.memref_slice %arg5[%dma_wait3A_359, %dma_wait3A_370, %dma_wait3A_371] : memref<2x4x128xi32, #tpu.memory_space<vmem>> -> memref<1x4x128xi32, #tpu.memory_space<vmem>>
      %dma_wait3A_373 = tpu.memref_squeeze %dma_wait3A_372 : memref<1x4x128xi32, #tpu.memory_space<vmem>> -> memref<4x128xi32, #tpu.memory_space<vmem>>
      %dma_wait3A_374 = arith.constant 0 : i32
      %dma_wait3A_375 = tpu.memref_slice %arg2[%select_n3A_303, %select_n3A_319, %mul3A_358, %dma_wait3A_374] : memref<25x128x8x128xi32, #tpu.memory_space<hbm>> -> memref<1x1x4x128xi32, #tpu.memory_space<hbm>>
      %dma_wait3A_376 = tpu.memref_squeeze %dma_wait3A_375 : memref<1x1x4x128xi32, #tpu.memory_space<hbm>> -> memref<4x128xi32, #tpu.memory_space<hbm>>
      tpu.wait_dma2 semaphore(%dma_wait3A_369 : memref<!tpu.dma_semaphore, #tpu.memory_space<semaphore_mem>>) src(%dma_wait3A_376 : memref<4x128xi32, #tpu.memory_space<hbm>>) dst(%dma_wait3A_373 : memref<4x128xi32, #tpu.memory_space<vmem>>)
      %dma_start3A_377 = arith.constant 1 : i32
      %dma_start3A_378 = arith.constant 0 : i32
      %dma_start3A_379 = arith.constant 1 : i32
      %dma_start3A_380 = arith.constant 1 : i32
      %dma_start3A_381 = arith.constant 0 : i32
      %dma_start3A_382 = arith.constant 0 : i32
      %dma_start3A_383 = tpu.memref_slice %arg6[%dma_start3A_379, %dma_start3A_381, %dma_start3A_382] : memref<2x512x32xf32, #tpu.memory_space<vmem>> -> memref<1x128x32xf32, #tpu.memory_space<vmem>>
      %dma_start3A_384 = tpu.memref_squeeze %dma_start3A_383 : memref<1x128x32xf32, #tpu.memory_space<vmem>> -> memref<128x32xf32, #tpu.memory_space<vmem>>
      %dma_start3A_385 = arith.constant 0 : i32
      %dma_start3A_386 = tpu.memref_slice %arg5[%dma_start3A_377, %dma_start3A_378, %dma_start3A_385] : memref<2x4x128xi32, #tpu.memory_space<vmem>> -> memref<1x1x128xi32, #tpu.memory_space<vmem>>
      %dma_start3A_387 = tpu.memref_squeeze %dma_start3A_386 : memref<1x1x128xi32, #tpu.memory_space<vmem>> -> memref<128xi32, #tpu.memory_space<vmem>>
      %dma_start3A_388 = arith.constant 0 : i32
      %dma_start3A_389 = arith.constant 0 : i32
      %dma_start3A_390 = tpu.memref_slice %arg3[%dma_start3A_388, %dma_start3A_389] : memref<1000000x32xf32, #tpu.memory_space<hbm>> -> memref<1000000x32xf32, #tpu.memory_space<hbm>>
      %dma_start3A_391 = tpu.memref_slice %arg9[%dma_start3A_380] : memref<2x!tpu.dma_semaphore, #tpu.memory_space<semaphore_mem>> -> memref<1x!tpu.dma_semaphore, #tpu.memory_space<semaphore_mem>>
      %dma_start3A_392 = tpu.memref_squeeze %dma_start3A_391 : memref<1x!tpu.dma_semaphore, #tpu.memory_space<semaphore_mem>> -> memref<!tpu.dma_semaphore, #tpu.memory_space<semaphore_mem>>
      tpu.enqueue_indirect_dma source(%dma_start3A_390 : memref<1000000x32xf32, #tpu.memory_space<hbm>>) target(%dma_start3A_384 : memref<128x32xf32, #tpu.memory_space<vmem>>) offsets(%dma_start3A_387 : memref<128xi32, #tpu.memory_space<vmem>>) semaphore(%dma_start3A_392 : memref<!tpu.dma_semaphore, #tpu.memory_space<semaphore_mem>>)
      %dma_start3A_393 = arith.constant 1 : i32
      %dma_start3A_394 = arith.constant 1 : i32
      %dma_start3A_395 = arith.constant 1 : i32
      %dma_start3A_396 = arith.constant 1 : i32
      %dma_start3A_397 = arith.constant 128 : i32
      %dma_start3A_398 = arith.constant 0 : i32
      %dma_start3A_399 = tpu.memref_slice %arg6[%dma_start3A_395, %dma_start3A_397, %dma_start3A_398] : memref<2x512x32xf32, #tpu.memory_space<vmem>> -> memref<1x128x32xf32, #tpu.memory_space<vmem>>
      %dma_start3A_400 = tpu.memref_squeeze %dma_start3A_399 : memref<1x128x32xf32, #tpu.memory_space<vmem>> -> memref<128x32xf32, #tpu.memory_space<vmem>>
      %dma_start3A_401 = arith.constant 0 : i32
      %dma_start3A_402 = tpu.memref_slice %arg5[%dma_start3A_393, %dma_start3A_394, %dma_start3A_401] : memref<2x4x128xi32, #tpu.memory_space<vmem>> -> memref<1x1x128xi32, #tpu.memory_space<vmem>>
      %dma_start3A_403 = tpu.memref_squeeze %dma_start3A_402 : memref<1x1x128xi32, #tpu.memory_space<vmem>> -> memref<128xi32, #tpu.memory_space<vmem>>
      %dma_start3A_404 = arith.constant 0 : i32
      %dma_start3A_405 = arith.constant 0 : i32
      %dma_start3A_406 = tpu.memref_slice %arg3[%dma_start3A_404, %dma_start3A_405] : memref<1000000x32xf32, #tpu.memory_space<hbm>> -> memref<1000000x32xf32, #tpu.memory_space<hbm>>
      %dma_start3A_407 = tpu.memref_slice %arg9[%dma_start3A_396] : memref<2x!tpu.dma_semaphore, #tpu.memory_space<semaphore_mem>> -> memref<1x!tpu.dma_semaphore, #tpu.memory_space<semaphore_mem>>
      %dma_start3A_408 = tpu.memref_squeeze %dma_start3A_407 : memref<1x!tpu.dma_semaphore, #tpu.memory_space<semaphore_mem>> -> memref<!tpu.dma_semaphore, #tpu.memory_space<semaphore_mem>>
      tpu.enqueue_indirect_dma source(%dma_start3A_406 : memref<1000000x32xf32, #tpu.memory_space<hbm>>) target(%dma_start3A_400 : memref<128x32xf32, #tpu.memory_space<vmem>>) offsets(%dma_start3A_403 : memref<128xi32, #tpu.memory_space<vmem>>) semaphore(%dma_start3A_408 : memref<!tpu.dma_semaphore, #tpu.memory_space<semaphore_mem>>)
      %dma_start3A_409 = arith.constant 1 : i32
      %dma_start3A_410 = arith.constant 2 : i32
      %dma_start3A_411 = arith.constant 1 : i32
      %dma_start3A_412 = arith.constant 1 : i32
      %dma_start3A_413 = arith.constant 256 : i32
      %dma_start3A_414 = arith.constant 0 : i32
      %dma_start3A_415 = tpu.memref_slice %arg6[%dma_start3A_411, %dma_start3A_413, %dma_start3A_414] : memref<2x512x32xf32, #tpu.memory_space<vmem>> -> memref<1x128x32xf32, #tpu.memory_space<vmem>>
      %dma_start3A_416 = tpu.memref_squeeze %dma_start3A_415 : memref<1x128x32xf32, #tpu.memory_space<vmem>> -> memref<128x32xf32, #tpu.memory_space<vmem>>
      %dma_start3A_417 = arith.constant 0 : i32
      %dma_start3A_418 = tpu.memref_slice %arg5[%dma_start3A_409, %dma_start3A_410, %dma_start3A_417] : memref<2x4x128xi32, #tpu.memory_space<vmem>> -> memref<1x1x128xi32, #tpu.memory_space<vmem>>
      %dma_start3A_419 = tpu.memref_squeeze %dma_start3A_418 : memref<1x1x128xi32, #tpu.memory_space<vmem>> -> memref<128xi32, #tpu.memory_space<vmem>>
      %dma_start3A_420 = arith.constant 0 : i32
      %dma_start3A_421 = arith.constant 0 : i32
      %dma_start3A_422 = tpu.memref_slice %arg3[%dma_start3A_420, %dma_start3A_421] : memref<1000000x32xf32, #tpu.memory_space<hbm>> -> memref<1000000x32xf32, #tpu.memory_space<hbm>>
      %dma_start3A_423 = tpu.memref_slice %arg9[%dma_start3A_412] : memref<2x!tpu.dma_semaphore, #tpu.memory_space<semaphore_mem>> -> memref<1x!tpu.dma_semaphore, #tpu.memory_space<semaphore_mem>>
      %dma_start3A_424 = tpu.memref_squeeze %dma_start3A_423 : memref<1x!tpu.dma_semaphore, #tpu.memory_space<semaphore_mem>> -> memref<!tpu.dma_semaphore, #tpu.memory_space<semaphore_mem>>
      tpu.enqueue_indirect_dma source(%dma_start3A_422 : memref<1000000x32xf32, #tpu.memory_space<hbm>>) target(%dma_start3A_416 : memref<128x32xf32, #tpu.memory_space<vmem>>) offsets(%dma_start3A_419 : memref<128xi32, #tpu.memory_space<vmem>>) semaphore(%dma_start3A_424 : memref<!tpu.dma_semaphore, #tpu.memory_space<semaphore_mem>>)
      %dma_start3A_425 = arith.constant 1 : i32
      %dma_start3A_426 = arith.constant 3 : i32
      %dma_start3A_427 = arith.constant 1 : i32
      %dma_start3A_428 = arith.constant 1 : i32
      %dma_start3A_429 = arith.constant 384 : i32
      %dma_start3A_430 = arith.constant 0 : i32
      %dma_start3A_431 = tpu.memref_slice %arg6[%dma_start3A_427, %dma_start3A_429, %dma_start3A_430] : memref<2x512x32xf32, #tpu.memory_space<vmem>> -> memref<1x128x32xf32, #tpu.memory_space<vmem>>
      %dma_start3A_432 = tpu.memref_squeeze %dma_start3A_431 : memref<1x128x32xf32, #tpu.memory_space<vmem>> -> memref<128x32xf32, #tpu.memory_space<vmem>>
      %dma_start3A_433 = arith.constant 0 : i32
      %dma_start3A_434 = tpu.memref_slice %arg5[%dma_start3A_425, %dma_start3A_426, %dma_start3A_433] : memref<2x4x128xi32, #tpu.memory_space<vmem>> -> memref<1x1x128xi32, #tpu.memory_space<vmem>>
      %dma_start3A_435 = tpu.memref_squeeze %dma_start3A_434 : memref<1x1x128xi32, #tpu.memory_space<vmem>> -> memref<128xi32, #tpu.memory_space<vmem>>
      %dma_start3A_436 = arith.constant 0 : i32
      %dma_start3A_437 = arith.constant 0 : i32
      %dma_start3A_438 = tpu.memref_slice %arg3[%dma_start3A_436, %dma_start3A_437] : memref<1000000x32xf32, #tpu.memory_space<hbm>> -> memref<1000000x32xf32, #tpu.memory_space<hbm>>
      %dma_start3A_439 = tpu.memref_slice %arg9[%dma_start3A_428] : memref<2x!tpu.dma_semaphore, #tpu.memory_space<semaphore_mem>> -> memref<1x!tpu.dma_semaphore, #tpu.memory_space<semaphore_mem>>
      %dma_start3A_440 = tpu.memref_squeeze %dma_start3A_439 : memref<1x!tpu.dma_semaphore, #tpu.memory_space<semaphore_mem>> -> memref<!tpu.dma_semaphore, #tpu.memory_space<semaphore_mem>>
      tpu.enqueue_indirect_dma source(%dma_start3A_438 : memref<1000000x32xf32, #tpu.memory_space<hbm>>) target(%dma_start3A_432 : memref<128x32xf32, #tpu.memory_space<vmem>>) offsets(%dma_start3A_435 : memref<128xi32, #tpu.memory_space<vmem>>) semaphore(%dma_start3A_440 : memref<!tpu.dma_semaphore, #tpu.memory_space<semaphore_mem>>)
      %add3A_441 = arith.constant 2 : i32
      %add3A_442 = arith.addi %mul3A_232, %add3A_441 : i32
      %lt3A_443 = arith.constant 200 : i32
      %lt3A_444 = arith.cmpi slt, %add3A_442, %lt3A_443 : i32
      %convert_element_type3A_445 = arith.extui %lt3A_444 : i1 to i32
      %cond3A_446 = arith.constant 0 : i32
      %cond3A_447 = arith.cmpi ne, %convert_element_type3A_445, %cond3A_446 : i32
      scf.if %cond3A_447 {
        %add3A_856 = arith.constant 2 : i32
        %add3A_857 = arith.addi %mul3A_232, %add3A_856 : i32
        %jit3A_858 = arith.constant 2 : i32
        %div3A_859 = arith.divsi %add3A_857, %jit3A_858 : i32
        %sign3A_860 = arith.constant 0 : i32
        %sign3A_861 = arith.cmpi sgt, %add3A_857, %sign3A_860 : i32
        %sign3A_862 = arith.extui %sign3A_861 : i1 to i32
        %sign3A_863 = arith.constant 0 : i32
        %sign3A_864 = arith.cmpi slt, %add3A_857, %sign3A_863 : i32
        %sign3A_865 = arith.extui %sign3A_864 : i1 to i32
        %sign3A_866 = arith.subi %sign3A_862, %sign3A_865 : i32
        %sign3A_867 = arith.constant 0 : i32
        %sign3A_868 = arith.cmpi sgt, %jit3A_858, %sign3A_867 : i32
        %sign3A_869 = arith.extui %sign3A_868 : i1 to i32
        %sign3A_870 = arith.constant 0 : i32
        %sign3A_871 = arith.cmpi slt, %jit3A_858, %sign3A_870 : i32
        %sign3A_872 = arith.extui %sign3A_871 : i1 to i32
        %sign3A_873 = arith.subi %sign3A_869, %sign3A_872 : i32
        %ne3A_874 = arith.cmpi ne, %sign3A_866, %sign3A_873 : i32
        %rem3A_875 = arith.remsi %add3A_857, %jit3A_858 : i32
        %ne3A_876 = arith.constant 0 : i32
        %ne3A_877 = arith.cmpi ne, %rem3A_875, %ne3A_876 : i32
        %and3A_878 = arith.andi %ne3A_874, %ne3A_877 : i1
        %sub3A_879 = arith.constant 1 : i32
        %sub3A_880 = arith.subi %div3A_859, %sub3A_879 : i32
        %select_n3A_881 = arith.select %and3A_878, %sub3A_880, %div3A_859 : i32
        %add3A_882 = arith.addi %mul3A_2, %select_n3A_881 : i32
        %jit3A_883 = arith.constant 128 : i32
        %div3A_884 = arith.divsi %add3A_882, %jit3A_883 : i32
        %sign3A_885 = arith.constant 0 : i32
        %sign3A_886 = arith.cmpi sgt, %add3A_882, %sign3A_885 : i32
        %sign3A_887 = arith.extui %sign3A_886 : i1 to i32
        %sign3A_888 = arith.constant 0 : i32
        %sign3A_889 = arith.cmpi slt, %add3A_882, %sign3A_888 : i32
        %sign3A_890 = arith.extui %sign3A_889 : i1 to i32
        %sign3A_891 = arith.subi %sign3A_887, %sign3A_890 : i32
        %sign3A_892 = arith.constant 0 : i32
        %sign3A_893 = arith.cmpi sgt, %jit3A_883, %sign3A_892 : i32
        %sign3A_894 = arith.extui %sign3A_893 : i1 to i32
        %sign3A_895 = arith.constant 0 : i32
        %sign3A_896 = arith.cmpi slt, %jit3A_883, %sign3A_895 : i32
        %sign3A_897 = arith.extui %sign3A_896 : i1 to i32
        %sign3A_898 = arith.subi %sign3A_894, %sign3A_897 : i32
        %ne3A_899 = arith.cmpi ne, %sign3A_891, %sign3A_898 : i32
        %rem3A_900 = arith.remsi %add3A_882, %jit3A_883 : i32
        %ne3A_901 = arith.constant 0 : i32
        %ne3A_902 = arith.cmpi ne, %rem3A_900, %ne3A_901 : i32
        %and3A_903 = arith.andi %ne3A_899, %ne3A_902 : i1
        %sub3A_904 = arith.constant 1 : i32
        %sub3A_905 = arith.subi %div3A_884, %sub3A_904 : i32
        %select_n3A_906 = arith.select %and3A_903, %sub3A_905, %div3A_884 : i32
        %jit3A_907 = arith.constant 128 : i32
        %eq3A_908 = arith.constant 0 : i32
        %eq3A_909 = arith.cmpi eq, %jit3A_907, %eq3A_908 : i32
        %jit3A_910 = arith.constant 1 : i32
        %select_n3A_911 = arith.select %eq3A_909, %jit3A_910, %jit3A_907 : i32
        %rem3A_912 = arith.remsi %add3A_882, %select_n3A_911 : i32
        %ne3A_913 = arith.constant 0 : i32
        %ne3A_914 = arith.cmpi ne, %rem3A_912, %ne3A_913 : i32
        %lt3A_915 = arith.constant 0 : i32
        %lt3A_916 = arith.cmpi slt, %rem3A_912, %lt3A_915 : i32
        %lt3A_917 = arith.constant 0 : i32
        %lt3A_918 = arith.cmpi slt, %select_n3A_911, %lt3A_917 : i32
        %ne3A_919 = arith.xori %lt3A_916, %lt3A_918 : i1
        %and3A_920 = arith.andi %ne3A_919, %ne3A_914 : i1
        %add3A_921 = arith.addi %rem3A_912, %select_n3A_911 : i32
        %select_n3A_922 = arith.select %and3A_920, %add3A_921, %rem3A_912 : i32
        %mul3A_923 = arith.constant 8 : i32
        %mul3A_924 = arith.muli %select_n3A_906, %mul3A_923 : i32
        %jit3A_925 = arith.constant 2 : i32
        %eq3A_926 = arith.constant 0 : i32
        %eq3A_927 = arith.cmpi eq, %jit3A_925, %eq3A_926 : i32
        %jit3A_928 = arith.constant 1 : i32
        %select_n3A_929 = arith.select %eq3A_927, %jit3A_928, %jit3A_925 : i32
        %rem3A_930 = arith.remsi %add3A_857, %select_n3A_929 : i32
        %ne3A_931 = arith.constant 0 : i32
        %ne3A_932 = arith.cmpi ne, %rem3A_930, %ne3A_931 : i32
        %lt3A_933 = arith.constant 0 : i32
        %lt3A_934 = arith.cmpi slt, %rem3A_930, %lt3A_933 : i32
        %lt3A_935 = arith.constant 0 : i32
        %lt3A_936 = arith.cmpi slt, %select_n3A_929, %lt3A_935 : i32
        %ne3A_937 = arith.xori %lt3A_934, %lt3A_936 : i1
        %and3A_938 = arith.andi %ne3A_937, %ne3A_932 : i1
        %add3A_939 = arith.addi %rem3A_930, %select_n3A_929 : i32
        %select_n3A_940 = arith.select %and3A_938, %add3A_939, %rem3A_930 : i32
        %mul3A_941 = arith.constant 4 : i32
        %mul3A_942 = arith.muli %select_n3A_940, %mul3A_941 : i32
        %add3A_943 = arith.addi %mul3A_924, %mul3A_942 : i32
        %jit3A_944 = arith.constant 2 : i32
        %eq3A_945 = arith.constant 0 : i32
        %eq3A_946 = arith.cmpi eq, %jit3A_944, %eq3A_945 : i32
        %jit3A_947 = arith.constant 1 : i32
        %select_n3A_948 = arith.select %eq3A_946, %jit3A_947, %jit3A_944 : i32
        %rem3A_949 = arith.remsi %add3A_857, %select_n3A_948 : i32
        %ne3A_950 = arith.constant 0 : i32
        %ne3A_951 = arith.cmpi ne, %rem3A_949, %ne3A_950 : i32
        %lt3A_952 = arith.constant 0 : i32
        %lt3A_953 = arith.cmpi slt, %rem3A_949, %lt3A_952 : i32
        %lt3A_954 = arith.constant 0 : i32
        %lt3A_955 = arith.cmpi slt, %select_n3A_948, %lt3A_954 : i32
        %ne3A_956 = arith.xori %lt3A_953, %lt3A_955 : i1
        %and3A_957 = arith.andi %ne3A_956, %ne3A_951 : i1
        %add3A_958 = arith.addi %rem3A_949, %select_n3A_948 : i32
        %select_n3A_959 = arith.select %and3A_957, %add3A_958, %rem3A_949 : i32
        %mul3A_960 = arith.constant 4 : i32
        %mul3A_961 = arith.muli %select_n3A_959, %mul3A_960 : i32
        %dma_start3A_962 = arith.constant 0 : i32
        %dma_start3A_963 = arith.constant 0 : i32
        %dma_start3A_964 = arith.constant 0 : i32
        %dma_start3A_965 = arith.constant 0 : i32
        %dma_start3A_966 = tpu.memref_slice %arg5[%dma_start3A_962, %dma_start3A_964, %dma_start3A_965] : memref<2x4x128xi32, #tpu.memory_space<vmem>> -> memref<1x4x128xi32, #tpu.memory_space<vmem>>
        %dma_start3A_967 = tpu.memref_squeeze %dma_start3A_966 : memref<1x4x128xi32, #tpu.memory_space<vmem>> -> memref<4x128xi32, #tpu.memory_space<vmem>>
        %dma_start3A_968 = arith.constant 0 : i32
        %dma_start3A_969 = tpu.memref_slice %arg2[%select_n3A_906, %select_n3A_922, %mul3A_961, %dma_start3A_968] : memref<25x128x8x128xi32, #tpu.memory_space<hbm>> -> memref<1x1x4x128xi32, #tpu.memory_space<hbm>>
        %dma_start3A_970 = tpu.memref_squeeze %dma_start3A_969 : memref<1x1x4x128xi32, #tpu.memory_space<hbm>> -> memref<4x128xi32, #tpu.memory_space<hbm>>
        %dma_start3A_971 = tpu.memref_slice %arg8[%dma_start3A_963] : memref<2x!tpu.dma_semaphore, #tpu.memory_space<semaphore_mem>> -> memref<1x!tpu.dma_semaphore, #tpu.memory_space<semaphore_mem>>
        %dma_start3A_972 = tpu.memref_squeeze %dma_start3A_971 : memref<1x!tpu.dma_semaphore, #tpu.memory_space<semaphore_mem>> -> memref<!tpu.dma_semaphore, #tpu.memory_space<semaphore_mem>>
        %dma_start3A_973 = arith.constant 0 : i32
        %dma_start3A_974 = arith.constant 0 : i32
        %dma_start3A_975 = tpu.memref_slice %arg5[%dma_start3A_962, %dma_start3A_973, %dma_start3A_974] : memref<2x4x128xi32, #tpu.memory_space<vmem>> -> memref<1x4x128xi32, #tpu.memory_space<vmem>>
        %dma_start3A_976 = tpu.memref_squeeze %dma_start3A_975 : memref<1x4x128xi32, #tpu.memory_space<vmem>> -> memref<4x128xi32, #tpu.memory_space<vmem>>
        %dma_start3A_977 = arith.constant 0 : i32
        %dma_start3A_978 = tpu.memref_slice %arg2[%select_n3A_906, %select_n3A_922, %mul3A_961, %dma_start3A_977] : memref<25x128x8x128xi32, #tpu.memory_space<hbm>> -> memref<1x1x4x128xi32, #tpu.memory_space<hbm>>
        %dma_start3A_979 = tpu.memref_squeeze %dma_start3A_978 : memref<1x1x4x128xi32, #tpu.memory_space<hbm>> -> memref<4x128xi32, #tpu.memory_space<hbm>>
        tpu.enqueue_dma source(%dma_start3A_979 : memref<4x128xi32, #tpu.memory_space<hbm>>) target(%dma_start3A_976 : memref<4x128xi32, #tpu.memory_space<vmem>>) target_semaphore(%dma_start3A_972 : memref<!tpu.dma_semaphore, #tpu.memory_space<semaphore_mem>>)
      } else {
      }
      %parallel_loop3A = arith.constant 0 : i32
      %parallel_loop3A_448 = arith.constant 1024 : i32
      %parallel_loop3A_449 = arith.constant 1 : i32
      scf.for %parallel_loop3A_856 = %parallel_loop3A to %parallel_loop3A_448 step %parallel_loop3A_449  : i32 {
        %parallel_loop3A_857 = arith.constant 32 : i32
        %parallel_loop3A_858 = arith.divsi %parallel_loop3A_856, %parallel_loop3A_857 : i32
        %parallel_loop3A_859 = arith.constant 0 : i32
        %parallel_loop3A_860 = arith.cmpi sgt, %parallel_loop3A_856, %parallel_loop3A_859 : i32
        %parallel_loop3A_861 = arith.extui %parallel_loop3A_860 : i1 to i32
        %parallel_loop3A_862 = arith.constant 0 : i32
        %parallel_loop3A_863 = arith.cmpi slt, %parallel_loop3A_856, %parallel_loop3A_862 : i32
        %parallel_loop3A_864 = arith.extui %parallel_loop3A_863 : i1 to i32
        %parallel_loop3A_865 = arith.subi %parallel_loop3A_861, %parallel_loop3A_864 : i32
        %parallel_loop3A_866 = arith.constant 0 : i32
        %parallel_loop3A_867 = arith.cmpi sgt, %parallel_loop3A_857, %parallel_loop3A_866 : i32
        %parallel_loop3A_868 = arith.extui %parallel_loop3A_867 : i1 to i32
        %parallel_loop3A_869 = arith.constant 0 : i32
        %parallel_loop3A_870 = arith.cmpi slt, %parallel_loop3A_857, %parallel_loop3A_869 : i32
        %parallel_loop3A_871 = arith.extui %parallel_loop3A_870 : i1 to i32
        %parallel_loop3A_872 = arith.subi %parallel_loop3A_868, %parallel_loop3A_871 : i32
        %parallel_loop3A_873 = arith.cmpi ne, %parallel_loop3A_865, %parallel_loop3A_872 : i32
        %parallel_loop3A_874 = arith.remsi %parallel_loop3A_856, %parallel_loop3A_857 : i32
        %parallel_loop3A_875 = arith.constant 0 : i32
        %parallel_loop3A_876 = arith.cmpi ne, %parallel_loop3A_874, %parallel_loop3A_875 : i32
        %parallel_loop3A_877 = arith.andi %parallel_loop3A_873, %parallel_loop3A_876 : i1
        %parallel_loop3A_878 = arith.constant 1 : i32
        %parallel_loop3A_879 = arith.subi %parallel_loop3A_858, %parallel_loop3A_878 : i32
        %parallel_loop3A_880 = arith.select %parallel_loop3A_877, %parallel_loop3A_879, %parallel_loop3A_858 : i32
        %parallel_loop3A_881 = arith.constant 32 : i32
        %parallel_loop3A_882 = arith.constant 0 : i32
        %parallel_loop3A_883 = arith.cmpi eq, %parallel_loop3A_881, %parallel_loop3A_882 : i32
        %parallel_loop3A_884 = arith.constant 1 : i32
        %parallel_loop3A_885 = arith.select %parallel_loop3A_883, %parallel_loop3A_884, %parallel_loop3A_881 : i32
        %parallel_loop3A_886 = arith.remsi %parallel_loop3A_856, %parallel_loop3A_885 : i32
        %parallel_loop3A_887 = arith.constant 0 : i32
        %parallel_loop3A_888 = arith.cmpi ne, %parallel_loop3A_886, %parallel_loop3A_887 : i32
        %parallel_loop3A_889 = arith.constant 0 : i32
        %parallel_loop3A_890 = arith.cmpi slt, %parallel_loop3A_886, %parallel_loop3A_889 : i32
        %parallel_loop3A_891 = arith.constant 0 : i32
        %parallel_loop3A_892 = arith.cmpi slt, %parallel_loop3A_885, %parallel_loop3A_891 : i32
        %parallel_loop3A_893 = arith.xori %parallel_loop3A_890, %parallel_loop3A_892 : i1
        %parallel_loop3A_894 = arith.andi %parallel_loop3A_893, %parallel_loop3A_888 : i1
        %parallel_loop3A_895 = arith.addi %parallel_loop3A_886, %parallel_loop3A_885 : i32
        %parallel_loop3A_896 = arith.select %parallel_loop3A_894, %parallel_loop3A_895, %parallel_loop3A_886 : i32
        %parallel_loop3A_897 = arith.constant 8 : i32
        %parallel_loop3A_898 = arith.divsi %parallel_loop3A_880, %parallel_loop3A_897 : i32
        %parallel_loop3A_899 = arith.constant 0 : i32
        %parallel_loop3A_900 = arith.cmpi sgt, %parallel_loop3A_880, %parallel_loop3A_899 : i32
        %parallel_loop3A_901 = arith.extui %parallel_loop3A_900 : i1 to i32
        %parallel_loop3A_902 = arith.constant 0 : i32
        %parallel_loop3A_903 = arith.cmpi slt, %parallel_loop3A_880, %parallel_loop3A_902 : i32
        %parallel_loop3A_904 = arith.extui %parallel_loop3A_903 : i1 to i32
        %parallel_loop3A_905 = arith.subi %parallel_loop3A_901, %parallel_loop3A_904 : i32
        %parallel_loop3A_906 = arith.constant 0 : i32
        %parallel_loop3A_907 = arith.cmpi sgt, %parallel_loop3A_897, %parallel_loop3A_906 : i32
        %parallel_loop3A_908 = arith.extui %parallel_loop3A_907 : i1 to i32
        %parallel_loop3A_909 = arith.constant 0 : i32
        %parallel_loop3A_910 = arith.cmpi slt, %parallel_loop3A_897, %parallel_loop3A_909 : i32
        %parallel_loop3A_911 = arith.extui %parallel_loop3A_910 : i1 to i32
        %parallel_loop3A_912 = arith.subi %parallel_loop3A_908, %parallel_loop3A_911 : i32
        %parallel_loop3A_913 = arith.cmpi ne, %parallel_loop3A_905, %parallel_loop3A_912 : i32
        %parallel_loop3A_914 = arith.remsi %parallel_loop3A_880, %parallel_loop3A_897 : i32
        %parallel_loop3A_915 = arith.constant 0 : i32
        %parallel_loop3A_916 = arith.cmpi ne, %parallel_loop3A_914, %parallel_loop3A_915 : i32
        %parallel_loop3A_917 = arith.andi %parallel_loop3A_913, %parallel_loop3A_916 : i1
        %parallel_loop3A_918 = arith.constant 1 : i32
        %parallel_loop3A_919 = arith.subi %parallel_loop3A_898, %parallel_loop3A_918 : i32
        %parallel_loop3A_920 = arith.select %parallel_loop3A_917, %parallel_loop3A_919, %parallel_loop3A_898 : i32
        %parallel_loop3A_921 = arith.constant 8 : i32
        %parallel_loop3A_922 = arith.constant 0 : i32
        %parallel_loop3A_923 = arith.cmpi eq, %parallel_loop3A_921, %parallel_loop3A_922 : i32
        %parallel_loop3A_924 = arith.constant 1 : i32
        %parallel_loop3A_925 = arith.select %parallel_loop3A_923, %parallel_loop3A_924, %parallel_loop3A_921 : i32
        %parallel_loop3A_926 = arith.remsi %parallel_loop3A_880, %parallel_loop3A_925 : i32
        %parallel_loop3A_927 = arith.constant 0 : i32
        %parallel_loop3A_928 = arith.cmpi ne, %parallel_loop3A_926, %parallel_loop3A_927 : i32
        %parallel_loop3A_929 = arith.constant 0 : i32
        %parallel_loop3A_930 = arith.cmpi slt, %parallel_loop3A_926, %parallel_loop3A_929 : i32
        %parallel_loop3A_931 = arith.constant 0 : i32
        %parallel_loop3A_932 = arith.cmpi slt, %parallel_loop3A_925, %parallel_loop3A_931 : i32
        %parallel_loop3A_933 = arith.xori %parallel_loop3A_930, %parallel_loop3A_932 : i1
        %parallel_loop3A_934 = arith.andi %parallel_loop3A_933, %parallel_loop3A_928 : i1
        %parallel_loop3A_935 = arith.addi %parallel_loop3A_926, %parallel_loop3A_925 : i32
        %parallel_loop3A_936 = arith.select %parallel_loop3A_934, %parallel_loop3A_935, %parallel_loop3A_926 : i32
        %parallel_loop3A_937 = arith.constant 8 : i32
        %parallel_loop3A_938 = arith.divsi %parallel_loop3A_896, %parallel_loop3A_937 : i32
        %parallel_loop3A_939 = arith.constant 0 : i32
        %parallel_loop3A_940 = arith.cmpi sgt, %parallel_loop3A_896, %parallel_loop3A_939 : i32
        %parallel_loop3A_941 = arith.extui %parallel_loop3A_940 : i1 to i32
        %parallel_loop3A_942 = arith.constant 0 : i32
        %parallel_loop3A_943 = arith.cmpi slt, %parallel_loop3A_896, %parallel_loop3A_942 : i32
        %parallel_loop3A_944 = arith.extui %parallel_loop3A_943 : i1 to i32
        %parallel_loop3A_945 = arith.subi %parallel_loop3A_941, %parallel_loop3A_944 : i32
        %parallel_loop3A_946 = arith.constant 0 : i32
        %parallel_loop3A_947 = arith.cmpi sgt, %parallel_loop3A_937, %parallel_loop3A_946 : i32
        %parallel_loop3A_948 = arith.extui %parallel_loop3A_947 : i1 to i32
        %parallel_loop3A_949 = arith.constant 0 : i32
        %parallel_loop3A_950 = arith.cmpi slt, %parallel_loop3A_937, %parallel_loop3A_949 : i32
        %parallel_loop3A_951 = arith.extui %parallel_loop3A_950 : i1 to i32
        %parallel_loop3A_952 = arith.subi %parallel_loop3A_948, %parallel_loop3A_951 : i32
        %parallel_loop3A_953 = arith.cmpi ne, %parallel_loop3A_945, %parallel_loop3A_952 : i32
        %parallel_loop3A_954 = arith.remsi %parallel_loop3A_896, %parallel_loop3A_937 : i32
        %parallel_loop3A_955 = arith.constant 0 : i32
        %parallel_loop3A_956 = arith.cmpi ne, %parallel_loop3A_954, %parallel_loop3A_955 : i32
        %parallel_loop3A_957 = arith.andi %parallel_loop3A_953, %parallel_loop3A_956 : i1
        %parallel_loop3A_958 = arith.constant 1 : i32
        %parallel_loop3A_959 = arith.subi %parallel_loop3A_938, %parallel_loop3A_958 : i32
        %parallel_loop3A_960 = arith.select %parallel_loop3A_957, %parallel_loop3A_959, %parallel_loop3A_938 : i32
        %parallel_loop3A_961 = arith.constant 8 : i32
        %parallel_loop3A_962 = arith.constant 0 : i32
        %parallel_loop3A_963 = arith.cmpi eq, %parallel_loop3A_961, %parallel_loop3A_962 : i32
        %parallel_loop3A_964 = arith.constant 1 : i32
        %parallel_loop3A_965 = arith.select %parallel_loop3A_963, %parallel_loop3A_964, %parallel_loop3A_961 : i32
        %parallel_loop3A_966 = arith.remsi %parallel_loop3A_896, %parallel_loop3A_965 : i32
        %parallel_loop3A_967 = arith.constant 0 : i32
        %parallel_loop3A_968 = arith.cmpi ne, %parallel_loop3A_966, %parallel_loop3A_967 : i32
        %parallel_loop3A_969 = arith.constant 0 : i32
        %parallel_loop3A_970 = arith.cmpi slt, %parallel_loop3A_966, %parallel_loop3A_969 : i32
        %parallel_loop3A_971 = arith.constant 0 : i32
        %parallel_loop3A_972 = arith.cmpi slt, %parallel_loop3A_965, %parallel_loop3A_971 : i32
        %parallel_loop3A_973 = arith.xori %parallel_loop3A_970, %parallel_loop3A_972 : i1
        %parallel_loop3A_974 = arith.andi %parallel_loop3A_973, %parallel_loop3A_968 : i1
        %parallel_loop3A_975 = arith.addi %parallel_loop3A_966, %parallel_loop3A_965 : i32
        %parallel_loop3A_976 = arith.select %parallel_loop3A_974, %parallel_loop3A_975, %parallel_loop3A_966 : i32
        %parallel_loop3A_977 = arith.constant 16 : i32
        %parallel_loop3A_978 = arith.muli %parallel_loop3A_880, %parallel_loop3A_977 : i32
        %parallel_loop3A_979 = vector.broadcast %parallel_loop3A_978 : i32 to vector<16xi32>
        %parallel_loop3A_980 = arith.addi %iota3A, %parallel_loop3A_979 : vector<16xi32>
        %parallel_loop3A_981 = arith.constant 0 : i32
        %parallel_loop3A_982 = vector.broadcast %parallel_loop3A_981 : i32 to vector<16xi32>
        %parallel_loop3A_983 = vector.broadcast %parallel_loop3A_896 : i32 to vector<16xi32>
        %parallel_loop3A_984 = arith.addi %parallel_loop3A_982, %parallel_loop3A_983 : vector<16xi32>
        %parallel_loop3A_985 = arith.constant 0 : i32
        %parallel_loop3A_986 = arith.constant 0 : i32
        %parallel_loop3A_987 = arith.constant 0 : i32
        %parallel_loop3A_988 = tpu.memref_slice %arg6[%parallel_loop3A_985, %parallel_loop3A_986, %parallel_loop3A_987] : memref<2x512x32xf32, #tpu.memory_space<vmem>> -> memref<1x512x32xf32, #tpu.memory_space<vmem>>
        %parallel_loop3A_989 = tpu.memref_squeeze %parallel_loop3A_988 : memref<1x512x32xf32, #tpu.memory_space<vmem>> -> memref<512x32xf32, #tpu.memory_space<vmem>>
        %parallel_loop3A_990 = tpu.vector_load_idx %parallel_loop3A_989[%parallel_loop3A_980, %parallel_loop3A_984] : memref<512x32xf32, #tpu.memory_space<vmem>>[vector<16xi32>, vector<16xi32>], vector<16xf32>,
        %parallel_loop3A_991 = arith.constant 16 : i32
        %parallel_loop3A_992 = arith.muli %parallel_loop3A_936, %parallel_loop3A_991 : i32
        %parallel_loop3A_993 = arith.constant 0 : i32
        %parallel_loop3A_994 = arith.index_cast %parallel_loop3A_993 : i32 to index
        %parallel_loop3A_995 = arith.index_cast %parallel_loop3A_960 : i32 to index
        %parallel_loop3A_996 = arith.index_cast %parallel_loop3A_920 : i32 to index
        %parallel_loop3A_997 = arith.index_cast %parallel_loop3A_976 : i32 to index
        %parallel_loop3A_998 = arith.index_cast %parallel_loop3A_992 : i32 to index
        %parallel_loop3A_999 = tpu.vector_load %arg7[%parallel_loop3A_994, %parallel_loop3A_995, %parallel_loop3A_996, %parallel_loop3A_997, %parallel_loop3A_998] {strides = array<i32>} : memref<2x4x4x8x128xf32, #tpu.memory_space<vmem>>, vector<16xf32>,
        tpu.vector_store %arg7[%parallel_loop3A_994, %parallel_loop3A_995, %parallel_loop3A_996, %parallel_loop3A_997, %parallel_loop3A_998], %parallel_loop3A_990 {strides = array<i32>} : memref<2x4x4x8x128xf32, #tpu.memory_space<vmem>>, vector<16xf32>,
      } {sc.loop_unroll_factor = 8 : i64, sc.parallel_access}
      %jit3A_450 = arith.constant 2 : i32
      %div3A_451 = arith.divsi %mul3A_232, %jit3A_450 : i32
      %sign3A_452 = arith.constant 0 : i32
      %sign3A_453 = arith.cmpi sgt, %mul3A_232, %sign3A_452 : i32
      %sign3A_454 = arith.extui %sign3A_453 : i1 to i32
      %sign3A_455 = arith.constant 0 : i32
      %sign3A_456 = arith.cmpi slt, %mul3A_232, %sign3A_455 : i32
      %sign3A_457 = arith.extui %sign3A_456 : i1 to i32
      %sign3A_458 = arith.subi %sign3A_454, %sign3A_457 : i32
      %sign3A_459 = arith.constant 0 : i32
      %sign3A_460 = arith.cmpi sgt, %jit3A_450, %sign3A_459 : i32
      %sign3A_461 = arith.extui %sign3A_460 : i1 to i32
      %sign3A_462 = arith.constant 0 : i32
      %sign3A_463 = arith.cmpi slt, %jit3A_450, %sign3A_462 : i32
      %sign3A_464 = arith.extui %sign3A_463 : i1 to i32
      %sign3A_465 = arith.subi %sign3A_461, %sign3A_464 : i32
      %ne3A_466 = arith.cmpi ne, %sign3A_458, %sign3A_465 : i32
      %rem3A_467 = arith.remsi %mul3A_232, %jit3A_450 : i32
      %ne3A_468 = arith.constant 0 : i32
      %ne3A_469 = arith.cmpi ne, %rem3A_467, %ne3A_468 : i32
      %and3A_470 = arith.andi %ne3A_466, %ne3A_469 : i1
      %sub3A_471 = arith.constant 1 : i32
      %sub3A_472 = arith.subi %div3A_451, %sub3A_471 : i32
      %select_n3A_473 = arith.select %and3A_470, %sub3A_472, %div3A_451 : i32
      %add3A_474 = arith.addi %mul3A_2, %select_n3A_473 : i32
      %jit3A_475 = arith.constant 128 : i32
      %div3A_476 = arith.divsi %add3A_474, %jit3A_475 : i32
      %sign3A_477 = arith.constant 0 : i32
      %sign3A_478 = arith.cmpi sgt, %add3A_474, %sign3A_477 : i32
      %sign3A_479 = arith.extui %sign3A_478 : i1 to i32
      %sign3A_480 = arith.constant 0 : i32
      %sign3A_481 = arith.cmpi slt, %add3A_474, %sign3A_480 : i32
      %sign3A_482 = arith.extui %sign3A_481 : i1 to i32
      %sign3A_483 = arith.subi %sign3A_479, %sign3A_482 : i32
      %sign3A_484 = arith.constant 0 : i32
      %sign3A_485 = arith.cmpi sgt, %jit3A_475, %sign3A_484 : i32
      %sign3A_486 = arith.extui %sign3A_485 : i1 to i32
      %sign3A_487 = arith.constant 0 : i32
      %sign3A_488 = arith.cmpi slt, %jit3A_475, %sign3A_487 : i32
      %sign3A_489 = arith.extui %sign3A_488 : i1 to i32
      %sign3A_490 = arith.subi %sign3A_486, %sign3A_489 : i32
      %ne3A_491 = arith.cmpi ne, %sign3A_483, %sign3A_490 : i32
      %rem3A_492 = arith.remsi %add3A_474, %jit3A_475 : i32
      %ne3A_493 = arith.constant 0 : i32
      %ne3A_494 = arith.cmpi ne, %rem3A_492, %ne3A_493 : i32
      %and3A_495 = arith.andi %ne3A_491, %ne3A_494 : i1
      %sub3A_496 = arith.constant 1 : i32
      %sub3A_497 = arith.subi %div3A_476, %sub3A_496 : i32
      %select_n3A_498 = arith.select %and3A_495, %sub3A_497, %div3A_476 : i32
      %jit3A_499 = arith.constant 128 : i32
      %eq3A_500 = arith.constant 0 : i32
      %eq3A_501 = arith.cmpi eq, %jit3A_499, %eq3A_500 : i32
      %jit3A_502 = arith.constant 1 : i32
      %select_n3A_503 = arith.select %eq3A_501, %jit3A_502, %jit3A_499 : i32
      %rem3A_504 = arith.remsi %add3A_474, %select_n3A_503 : i32
      %ne3A_505 = arith.constant 0 : i32
      %ne3A_506 = arith.cmpi ne, %rem3A_504, %ne3A_505 : i32
      %lt3A_507 = arith.constant 0 : i32
      %lt3A_508 = arith.cmpi slt, %rem3A_504, %lt3A_507 : i32
      %lt3A_509 = arith.constant 0 : i32
      %lt3A_510 = arith.cmpi slt, %select_n3A_503, %lt3A_509 : i32
      %ne3A_511 = arith.xori %lt3A_508, %lt3A_510 : i1
      %and3A_512 = arith.andi %ne3A_511, %ne3A_506 : i1
      %add3A_513 = arith.addi %rem3A_504, %select_n3A_503 : i32
      %select_n3A_514 = arith.select %and3A_512, %add3A_513, %rem3A_504 : i32
      %mul3A_515 = arith.constant 8 : i32
      %mul3A_516 = arith.muli %select_n3A_498, %mul3A_515 : i32
      %jit3A_517 = arith.constant 2 : i32
      %eq3A_518 = arith.constant 0 : i32
      %eq3A_519 = arith.cmpi eq, %jit3A_517, %eq3A_518 : i32
      %jit3A_520 = arith.constant 1 : i32
      %select_n3A_521 = arith.select %eq3A_519, %jit3A_520, %jit3A_517 : i32
      %rem3A_522 = arith.remsi %mul3A_232, %select_n3A_521 : i32
      %ne3A_523 = arith.constant 0 : i32
      %ne3A_524 = arith.cmpi ne, %rem3A_522, %ne3A_523 : i32
      %lt3A_525 = arith.constant 0 : i32
      %lt3A_526 = arith.cmpi slt, %rem3A_522, %lt3A_525 : i32
      %lt3A_527 = arith.constant 0 : i32
      %lt3A_528 = arith.cmpi slt, %select_n3A_521, %lt3A_527 : i32
      %ne3A_529 = arith.xori %lt3A_526, %lt3A_528 : i1
      %and3A_530 = arith.andi %ne3A_529, %ne3A_524 : i1
      %add3A_531 = arith.addi %rem3A_522, %select_n3A_521 : i32
      %select_n3A_532 = arith.select %and3A_530, %add3A_531, %rem3A_522 : i32
      %mul3A_533 = arith.constant 4 : i32
      %mul3A_534 = arith.muli %select_n3A_532, %mul3A_533 : i32
      %add3A_535 = arith.addi %mul3A_516, %mul3A_534 : i32
      %dma_start3A_536 = arith.constant 0 : i32
      %dma_start3A_537 = arith.constant 0 : i32
      %dma_start3A_538 = arith.constant 0 : i32
      %dma_start3A_539 = arith.constant 0 : i32
      %dma_start3A_540 = arith.constant 0 : i32
      %dma_start3A_541 = arith.constant 0 : i32
      %dma_start3A_542 = arith.constant 0 : i32
      %dma_start3A_543 = tpu.memref_slice %arg7[%dma_start3A_536, %dma_start3A_537, %dma_start3A_540, %dma_start3A_541, %dma_start3A_542] : memref<2x4x4x8x128xf32, #tpu.memory_space<vmem>> -> memref<1x1x4x8x128xf32, #tpu.memory_space<vmem>>
      %dma_start3A_544 = tpu.memref_squeeze %dma_start3A_543 : memref<1x1x4x8x128xf32, #tpu.memory_space<vmem>> -> memref<4x8x128xf32, #tpu.memory_space<vmem>>
      %dma_start3A_545 = arith.constant 0 : i32
      %dma_start3A_546 = arith.constant 0 : i32
      %dma_start3A_547 = tpu.memref_slice %arg4[%add3A_535, %dma_start3A_538, %select_n3A_514, %dma_start3A_545, %dma_start3A_546] : memref<200x4x128x8x128xf32, #tpu.memory_space<hbm>> -> memref<4x1x1x8x128xf32, #tpu.memory_space<hbm>>
      %dma_start3A_548 = tpu.memref_squeeze %dma_start3A_547 : memref<4x1x1x8x128xf32, #tpu.memory_space<hbm>> -> memref<4x8x128xf32, #tpu.memory_space<hbm>>
      %dma_start3A_549 = tpu.memref_slice %arg10[%dma_start3A_539] : memref<2x!tpu.dma_semaphore, #tpu.memory_space<semaphore_mem>> -> memref<1x!tpu.dma_semaphore, #tpu.memory_space<semaphore_mem>>
      %dma_start3A_550 = tpu.memref_squeeze %dma_start3A_549 : memref<1x!tpu.dma_semaphore, #tpu.memory_space<semaphore_mem>> -> memref<!tpu.dma_semaphore, #tpu.memory_space<semaphore_mem>>
      %dma_start3A_551 = arith.constant 0 : i32
      %dma_start3A_552 = arith.constant 0 : i32
      %dma_start3A_553 = tpu.memref_slice %arg4[%add3A_535, %dma_start3A_538, %select_n3A_514, %dma_start3A_551, %dma_start3A_552] : memref<200x4x128x8x128xf32, #tpu.memory_space<hbm>> -> memref<4x1x1x8x128xf32, #tpu.memory_space<hbm>>
      %dma_start3A_554 = tpu.memref_squeeze %dma_start3A_553 : memref<4x1x1x8x128xf32, #tpu.memory_space<hbm>> -> memref<4x8x128xf32, #tpu.memory_space<hbm>>
      %dma_start3A_555 = arith.constant 0 : i32
      %dma_start3A_556 = arith.constant 0 : i32
      %dma_start3A_557 = arith.constant 0 : i32
      %dma_start3A_558 = tpu.memref_slice %arg7[%dma_start3A_536, %dma_start3A_537, %dma_start3A_555, %dma_start3A_556, %dma_start3A_557] : memref<2x4x4x8x128xf32, #tpu.memory_space<vmem>> -> memref<1x1x4x8x128xf32, #tpu.memory_space<vmem>>
      %dma_start3A_559 = tpu.memref_squeeze %dma_start3A_558 : memref<1x1x4x8x128xf32, #tpu.memory_space<vmem>> -> memref<4x8x128xf32, #tpu.memory_space<vmem>>
      tpu.enqueue_dma source(%dma_start3A_559 : memref<4x8x128xf32, #tpu.memory_space<vmem>>) target(%dma_start3A_554 : memref<4x8x128xf32, #tpu.memory_space<hbm>>) target_semaphore(%dma_start3A_550 : memref<!tpu.dma_semaphore, #tpu.memory_space<semaphore_mem>>)
      %dma_start3A_560 = arith.constant 0 : i32
      %dma_start3A_561 = arith.constant 1 : i32
      %dma_start3A_562 = arith.constant 1 : i32
      %dma_start3A_563 = arith.constant 0 : i32
      %dma_start3A_564 = arith.constant 0 : i32
      %dma_start3A_565 = arith.constant 0 : i32
      %dma_start3A_566 = arith.constant 0 : i32
      %dma_start3A_567 = tpu.memref_slice %arg7[%dma_start3A_560, %dma_start3A_561, %dma_start3A_564, %dma_start3A_565, %dma_start3A_566] : memref<2x4x4x8x128xf32, #tpu.memory_space<vmem>> -> memref<1x1x4x8x128xf32, #tpu.memory_space<vmem>>
      %dma_start3A_568 = tpu.memref_squeeze %dma_start3A_567 : memref<1x1x4x8x128xf32, #tpu.memory_space<vmem>> -> memref<4x8x128xf32, #tpu.memory_space<vmem>>
      %dma_start3A_569 = arith.constant 0 : i32
      %dma_start3A_570 = arith.constant 0 : i32
      %dma_start3A_571 = tpu.memref_slice %arg4[%add3A_535, %dma_start3A_562, %select_n3A_514, %dma_start3A_569, %dma_start3A_570] : memref<200x4x128x8x128xf32, #tpu.memory_space<hbm>> -> memref<4x1x1x8x128xf32, #tpu.memory_space<hbm>>
      %dma_start3A_572 = tpu.memref_squeeze %dma_start3A_571 : memref<4x1x1x8x128xf32, #tpu.memory_space<hbm>> -> memref<4x8x128xf32, #tpu.memory_space<hbm>>
      %dma_start3A_573 = tpu.memref_slice %arg10[%dma_start3A_563] : memref<2x!tpu.dma_semaphore, #tpu.memory_space<semaphore_mem>> -> memref<1x!tpu.dma_semaphore, #tpu.memory_space<semaphore_mem>>
      %dma_start3A_574 = tpu.memref_squeeze %dma_start3A_573 : memref<1x!tpu.dma_semaphore, #tpu.memory_space<semaphore_mem>> -> memref<!tpu.dma_semaphore, #tpu.memory_space<semaphore_mem>>
      %dma_start3A_575 = arith.constant 0 : i32
      %dma_start3A_576 = arith.constant 0 : i32
      %dma_start3A_577 = tpu.memref_slice %arg4[%add3A_535, %dma_start3A_562, %select_n3A_514, %dma_start3A_575, %dma_start3A_576] : memref<200x4x128x8x128xf32, #tpu.memory_space<hbm>> -> memref<4x1x1x8x128xf32, #tpu.memory_space<hbm>>
      %dma_start3A_578 = tpu.memref_squeeze %dma_start3A_577 : memref<4x1x1x8x128xf32, #tpu.memory_space<hbm>> -> memref<4x8x128xf32, #tpu.memory_space<hbm>>
      %dma_start3A_579 = arith.constant 0 : i32
      %dma_start3A_580 = arith.constant 0 : i32
      %dma_start3A_581 = arith.constant 0 : i32
      %dma_start3A_582 = tpu.memref_slice %arg7[%dma_start3A_560, %dma_start3A_561, %dma_start3A_579, %dma_start3A_580, %dma_start3A_581] : memref<2x4x4x8x128xf32, #tpu.memory_space<vmem>> -> memref<1x1x4x8x128xf32, #tpu.memory_space<vmem>>
      %dma_start3A_583 = tpu.memref_squeeze %dma_start3A_582 : memref<1x1x4x8x128xf32, #tpu.memory_space<vmem>> -> memref<4x8x128xf32, #tpu.memory_space<vmem>>
      tpu.enqueue_dma source(%dma_start3A_583 : memref<4x8x128xf32, #tpu.memory_space<vmem>>) target(%dma_start3A_578 : memref<4x8x128xf32, #tpu.memory_space<hbm>>) target_semaphore(%dma_start3A_574 : memref<!tpu.dma_semaphore, #tpu.memory_space<semaphore_mem>>)
      %dma_start3A_584 = arith.constant 0 : i32
      %dma_start3A_585 = arith.constant 2 : i32
      %dma_start3A_586 = arith.constant 2 : i32
      %dma_start3A_587 = arith.constant 0 : i32
      %dma_start3A_588 = arith.constant 0 : i32
      %dma_start3A_589 = arith.constant 0 : i32
      %dma_start3A_590 = arith.constant 0 : i32
      %dma_start3A_591 = tpu.memref_slice %arg7[%dma_start3A_584, %dma_start3A_585, %dma_start3A_588, %dma_start3A_589, %dma_start3A_590] : memref<2x4x4x8x128xf32, #tpu.memory_space<vmem>> -> memref<1x1x4x8x128xf32, #tpu.memory_space<vmem>>
      %dma_start3A_592 = tpu.memref_squeeze %dma_start3A_591 : memref<1x1x4x8x128xf32, #tpu.memory_space<vmem>> -> memref<4x8x128xf32, #tpu.memory_space<vmem>>
      %dma_start3A_593 = arith.constant 0 : i32
      %dma_start3A_594 = arith.constant 0 : i32
      %dma_start3A_595 = tpu.memref_slice %arg4[%add3A_535, %dma_start3A_586, %select_n3A_514, %dma_start3A_593, %dma_start3A_594] : memref<200x4x128x8x128xf32, #tpu.memory_space<hbm>> -> memref<4x1x1x8x128xf32, #tpu.memory_space<hbm>>
      %dma_start3A_596 = tpu.memref_squeeze %dma_start3A_595 : memref<4x1x1x8x128xf32, #tpu.memory_space<hbm>> -> memref<4x8x128xf32, #tpu.memory_space<hbm>>
      %dma_start3A_597 = tpu.memref_slice %arg10[%dma_start3A_587] : memref<2x!tpu.dma_semaphore, #tpu.memory_space<semaphore_mem>> -> memref<1x!tpu.dma_semaphore, #tpu.memory_space<semaphore_mem>>
      %dma_start3A_598 = tpu.memref_squeeze %dma_start3A_597 : memref<1x!tpu.dma_semaphore, #tpu.memory_space<semaphore_mem>> -> memref<!tpu.dma_semaphore, #tpu.memory_space<semaphore_mem>>
      %dma_start3A_599 = arith.constant 0 : i32
      %dma_start3A_600 = arith.constant 0 : i32
      %dma_start3A_601 = tpu.memref_slice %arg4[%add3A_535, %dma_start3A_586, %select_n3A_514, %dma_start3A_599, %dma_start3A_600] : memref<200x4x128x8x128xf32, #tpu.memory_space<hbm>> -> memref<4x1x1x8x128xf32, #tpu.memory_space<hbm>>
      %dma_start3A_602 = tpu.memref_squeeze %dma_start3A_601 : memref<4x1x1x8x128xf32, #tpu.memory_space<hbm>> -> memref<4x8x128xf32, #tpu.memory_space<hbm>>
      %dma_start3A_603 = arith.constant 0 : i32
      %dma_start3A_604 = arith.constant 0 : i32
      %dma_start3A_605 = arith.constant 0 : i32
      %dma_start3A_606 = tpu.memref_slice %arg7[%dma_start3A_584, %dma_start3A_585, %dma_start3A_603, %dma_start3A_604, %dma_start3A_605] : memref<2x4x4x8x128xf32, #tpu.memory_space<vmem>> -> memref<1x1x4x8x128xf32, #tpu.memory_space<vmem>>
      %dma_start3A_607 = tpu.memref_squeeze %dma_start3A_606 : memref<1x1x4x8x128xf32, #tpu.memory_space<vmem>> -> memref<4x8x128xf32, #tpu.memory_space<vmem>>
      tpu.enqueue_dma source(%dma_start3A_607 : memref<4x8x128xf32, #tpu.memory_space<vmem>>) target(%dma_start3A_602 : memref<4x8x128xf32, #tpu.memory_space<hbm>>) target_semaphore(%dma_start3A_598 : memref<!tpu.dma_semaphore, #tpu.memory_space<semaphore_mem>>)
      %dma_start3A_608 = arith.constant 0 : i32
      %dma_start3A_609 = arith.constant 3 : i32
      %dma_start3A_610 = arith.constant 3 : i32
      %dma_start3A_611 = arith.constant 0 : i32
      %dma_start3A_612 = arith.constant 0 : i32
      %dma_start3A_613 = arith.constant 0 : i32
      %dma_start3A_614 = arith.constant 0 : i32
      %dma_start3A_615 = tpu.memref_slice %arg7[%dma_start3A_608, %dma_start3A_609, %dma_start3A_612, %dma_start3A_613, %dma_start3A_614] : memref<2x4x4x8x128xf32, #tpu.memory_space<vmem>> -> memref<1x1x4x8x128xf32, #tpu.memory_space<vmem>>
      %dma_start3A_616 = tpu.memref_squeeze %dma_start3A_615 : memref<1x1x4x8x128xf32, #tpu.memory_space<vmem>> -> memref<4x8x128xf32, #tpu.memory_space<vmem>>
      %dma_start3A_617 = arith.constant 0 : i32
      %dma_start3A_618 = arith.constant 0 : i32
      %dma_start3A_619 = tpu.memref_slice %arg4[%add3A_535, %dma_start3A_610, %select_n3A_514, %dma_start3A_617, %dma_start3A_618] : memref<200x4x128x8x128xf32, #tpu.memory_space<hbm>> -> memref<4x1x1x8x128xf32, #tpu.memory_space<hbm>>
      %dma_start3A_620 = tpu.memref_squeeze %dma_start3A_619 : memref<4x1x1x8x128xf32, #tpu.memory_space<hbm>> -> memref<4x8x128xf32, #tpu.memory_space<hbm>>
      %dma_start3A_621 = tpu.memref_slice %arg10[%dma_start3A_611] : memref<2x!tpu.dma_semaphore, #tpu.memory_space<semaphore_mem>> -> memref<1x!tpu.dma_semaphore, #tpu.memory_space<semaphore_mem>>
      %dma_start3A_622 = tpu.memref_squeeze %dma_start3A_621 : memref<1x!tpu.dma_semaphore, #tpu.memory_space<semaphore_mem>> -> memref<!tpu.dma_semaphore, #tpu.memory_space<semaphore_mem>>
      %dma_start3A_623 = arith.constant 0 : i32
      %dma_start3A_624 = arith.constant 0 : i32
      %dma_start3A_625 = tpu.memref_slice %arg4[%add3A_535, %dma_start3A_610, %select_n3A_514, %dma_start3A_623, %dma_start3A_624] : memref<200x4x128x8x128xf32, #tpu.memory_space<hbm>> -> memref<4x1x1x8x128xf32, #tpu.memory_space<hbm>>
      %dma_start3A_626 = tpu.memref_squeeze %dma_start3A_625 : memref<4x1x1x8x128xf32, #tpu.memory_space<hbm>> -> memref<4x8x128xf32, #tpu.memory_space<hbm>>
      %dma_start3A_627 = arith.constant 0 : i32
      %dma_start3A_628 = arith.constant 0 : i32
      %dma_start3A_629 = arith.constant 0 : i32
      %dma_start3A_630 = tpu.memref_slice %arg7[%dma_start3A_608, %dma_start3A_609, %dma_start3A_627, %dma_start3A_628, %dma_start3A_629] : memref<2x4x4x8x128xf32, #tpu.memory_space<vmem>> -> memref<1x1x4x8x128xf32, #tpu.memory_space<vmem>>
      %dma_start3A_631 = tpu.memref_squeeze %dma_start3A_630 : memref<1x1x4x8x128xf32, #tpu.memory_space<vmem>> -> memref<4x8x128xf32, #tpu.memory_space<vmem>>
      tpu.enqueue_dma source(%dma_start3A_631 : memref<4x8x128xf32, #tpu.memory_space<vmem>>) target(%dma_start3A_626 : memref<4x8x128xf32, #tpu.memory_space<hbm>>) target_semaphore(%dma_start3A_622 : memref<!tpu.dma_semaphore, #tpu.memory_space<semaphore_mem>>)
      %add3A_632 = arith.constant 1 : i32
      %add3A_633 = arith.addi %mul3A_232, %add3A_632 : i32
      %dma_wait3A_634 = arith.constant 1 : i32
      %dma_wait3A_635 = arith.constant 1 : i32
      %dma_wait3A_636 = arith.constant 0 : i32
      %dma_wait3A_637 = arith.constant 0 : i32
      %dma_wait3A_638 = tpu.memref_slice %arg6[%dma_wait3A_634, %dma_wait3A_636, %dma_wait3A_637] : memref<2x512x32xf32, #tpu.memory_space<vmem>> -> memref<1x512x32xf32, #tpu.memory_space<vmem>>
      %dma_wait3A_639 = tpu.memref_squeeze %dma_wait3A_638 : memref<1x512x32xf32, #tpu.memory_space<vmem>> -> memref<512x32xf32, #tpu.memory_space<vmem>>
      %dma_wait3A_640 = arith.constant 0 : i32
      %dma_wait3A_641 = arith.constant 0 : i32
      %dma_wait3A_642 = tpu.memref_slice %arg3[%dma_wait3A_640, %dma_wait3A_641] : memref<1000000x32xf32, #tpu.memory_space<hbm>> -> memref<512x32xf32, #tpu.memory_space<hbm>>
      %dma_wait3A_643 = tpu.memref_slice %arg9[%dma_wait3A_635] : memref<2x!tpu.dma_semaphore, #tpu.memory_space<semaphore_mem>> -> memref<1x!tpu.dma_semaphore, #tpu.memory_space<semaphore_mem>>
      %dma_wait3A_644 = tpu.memref_squeeze %dma_wait3A_643 : memref<1x!tpu.dma_semaphore, #tpu.memory_space<semaphore_mem>> -> memref<!tpu.dma_semaphore, #tpu.memory_space<semaphore_mem>>
      %dma_wait3A_645 = arith.constant 0 : i32
      %dma_wait3A_646 = arith.constant 0 : i32
      %dma_wait3A_647 = tpu.memref_slice %arg6[%dma_wait3A_634, %dma_wait3A_645, %dma_wait3A_646] : memref<2x512x32xf32, #tpu.memory_space<vmem>> -> memref<1x512x32xf32, #tpu.memory_space<vmem>>
      %dma_wait3A_648 = tpu.memref_squeeze %dma_wait3A_647 : memref<1x512x32xf32, #tpu.memory_space<vmem>> -> memref<512x32xf32, #tpu.memory_space<vmem>>
      %dma_wait3A_649 = arith.constant 0 : i32
      %dma_wait3A_650 = arith.constant 0 : i32
      %dma_wait3A_651 = tpu.memref_slice %arg3[%dma_wait3A_649, %dma_wait3A_650] : memref<1000000x32xf32, #tpu.memory_space<hbm>> -> memref<512x32xf32, #tpu.memory_space<hbm>>
      tpu.wait_dma2 semaphore(%dma_wait3A_644 : memref<!tpu.dma_semaphore, #tpu.memory_space<semaphore_mem>>) src(%dma_wait3A_651 : memref<512x32xf32, #tpu.memory_space<hbm>>) dst(%dma_wait3A_648 : memref<512x32xf32, #tpu.memory_space<vmem>>)
      %ge3A_652 = arith.constant 1 : i32
      %ge3A_653 = arith.cmpi sge, %scan3A_230, %ge3A_652 : i32
      %convert_element_type3A_654 = arith.extui %ge3A_653 : i1 to i32
      %cond3A_655 = arith.constant 0 : i32
      %cond3A_656 = arith.cmpi ne, %convert_element_type3A_654, %cond3A_655 : i32
      scf.if %cond3A_656 {
        %dma_wait3A_856 = arith.constant 0 : i32
        %dma_wait3A_857 = arith.constant 1 : i32
        %dma_wait3A_858 = arith.constant 1 : i32
        %dma_wait3A_859 = arith.constant 0 : i32
        %dma_wait3A_860 = arith.constant 0 : i32
        %dma_wait3A_861 = arith.constant 0 : i32
        %dma_wait3A_862 = arith.constant 0 : i32
        %dma_wait3A_863 = tpu.memref_slice %arg7[%dma_wait3A_857, %dma_wait3A_859, %dma_wait3A_860, %dma_wait3A_861, %dma_wait3A_862] : memref<2x4x4x8x128xf32, #tpu.memory_space<vmem>> -> memref<1x4x4x8x128xf32, #tpu.memory_space<vmem>>
        %dma_wait3A_864 = tpu.memref_squeeze %dma_wait3A_863 : memref<1x4x4x8x128xf32, #tpu.memory_space<vmem>> -> memref<4x4x8x128xf32, #tpu.memory_space<vmem>>
        %dma_wait3A_865 = arith.constant 0 : i32
        %dma_wait3A_866 = arith.constant 0 : i32
        %dma_wait3A_867 = arith.constant 0 : i32
        %dma_wait3A_868 = arith.constant 0 : i32
        %dma_wait3A_869 = tpu.memref_slice %arg4[%dma_wait3A_865, %dma_wait3A_866, %dma_wait3A_856, %dma_wait3A_867, %dma_wait3A_868] : memref<200x4x128x8x128xf32, #tpu.memory_space<hbm>> -> memref<4x4x1x8x128xf32, #tpu.memory_space<hbm>>
        %dma_wait3A_870 = tpu.memref_squeeze %dma_wait3A_869 : memref<4x4x1x8x128xf32, #tpu.memory_space<hbm>> -> memref<4x4x8x128xf32, #tpu.memory_space<hbm>>
        %dma_wait3A_871 = tpu.memref_slice %arg10[%dma_wait3A_858] : memref<2x!tpu.dma_semaphore, #tpu.memory_space<semaphore_mem>> -> memref<1x!tpu.dma_semaphore, #tpu.memory_space<semaphore_mem>>
        %dma_wait3A_872 = tpu.memref_squeeze %dma_wait3A_871 : memref<1x!tpu.dma_semaphore, #tpu.memory_space<semaphore_mem>> -> memref<!tpu.dma_semaphore, #tpu.memory_space<semaphore_mem>>
        %dma_wait3A_873 = arith.constant 0 : i32
        %dma_wait3A_874 = arith.constant 0 : i32
        %dma_wait3A_875 = arith.constant 0 : i32
        %dma_wait3A_876 = arith.constant 0 : i32
        %dma_wait3A_877 = tpu.memref_slice %arg7[%dma_wait3A_857, %dma_wait3A_873, %dma_wait3A_874, %dma_wait3A_875, %dma_wait3A_876] : memref<2x4x4x8x128xf32, #tpu.memory_space<vmem>> -> memref<1x4x4x8x128xf32, #tpu.memory_space<vmem>>
        %dma_wait3A_878 = tpu.memref_squeeze %dma_wait3A_877 : memref<1x4x4x8x128xf32, #tpu.memory_space<vmem>> -> memref<4x4x8x128xf32, #tpu.memory_space<vmem>>
        %dma_wait3A_879 = arith.constant 0 : i32
        %dma_wait3A_880 = arith.constant 0 : i32
        %dma_wait3A_881 = arith.constant 0 : i32
        %dma_wait3A_882 = arith.constant 0 : i32
        %dma_wait3A_883 = tpu.memref_slice %arg4[%dma_wait3A_879, %dma_wait3A_880, %dma_wait3A_856, %dma_wait3A_881, %dma_wait3A_882] : memref<200x4x128x8x128xf32, #tpu.memory_space<hbm>> -> memref<4x4x1x8x128xf32, #tpu.memory_space<hbm>>
        %dma_wait3A_884 = tpu.memref_squeeze %dma_wait3A_883 : memref<4x4x1x8x128xf32, #tpu.memory_space<hbm>> -> memref<4x4x8x128xf32, #tpu.memory_space<hbm>>
        tpu.wait_dma2 semaphore(%dma_wait3A_872 : memref<!tpu.dma_semaphore, #tpu.memory_space<semaphore_mem>>) src(%dma_wait3A_884 : memref<4x4x8x128xf32, #tpu.memory_space<hbm>>) dst(%dma_wait3A_878 : memref<4x4x8x128xf32, #tpu.memory_space<vmem>>)
      } else {
      }
      %add3A_657 = arith.constant 1 : i32
      %add3A_658 = arith.addi %add3A_633, %add3A_657 : i32
      %lt3A_659 = arith.constant 200 : i32
      %lt3A_660 = arith.cmpi slt, %add3A_658, %lt3A_659 : i32
      %convert_element_type3A_661 = arith.extui %lt3A_660 : i1 to i32
      %cond3A_662 = arith.constant 0 : i32
      %cond3A_663 = arith.cmpi ne, %convert_element_type3A_661, %cond3A_662 : i32
      scf.if %cond3A_663 {
        %add3A_856 = arith.constant 1 : i32
        %add3A_857 = arith.addi %add3A_633, %add3A_856 : i32
        %jit3A_858 = arith.constant 2 : i32
        %div3A_859 = arith.divsi %add3A_857, %jit3A_858 : i32
        %sign3A_860 = arith.constant 0 : i32
        %sign3A_861 = arith.cmpi sgt, %add3A_857, %sign3A_860 : i32
        %sign3A_862 = arith.extui %sign3A_861 : i1 to i32
        %sign3A_863 = arith.constant 0 : i32
        %sign3A_864 = arith.cmpi slt, %add3A_857, %sign3A_863 : i32
        %sign3A_865 = arith.extui %sign3A_864 : i1 to i32
        %sign3A_866 = arith.subi %sign3A_862, %sign3A_865 : i32
        %sign3A_867 = arith.constant 0 : i32
        %sign3A_868 = arith.cmpi sgt, %jit3A_858, %sign3A_867 : i32
        %sign3A_869 = arith.extui %sign3A_868 : i1 to i32
        %sign3A_870 = arith.constant 0 : i32
        %sign3A_871 = arith.cmpi slt, %jit3A_858, %sign3A_870 : i32
        %sign3A_872 = arith.extui %sign3A_871 : i1 to i32
        %sign3A_873 = arith.subi %sign3A_869, %sign3A_872 : i32
        %ne3A_874 = arith.cmpi ne, %sign3A_866, %sign3A_873 : i32
        %rem3A_875 = arith.remsi %add3A_857, %jit3A_858 : i32
        %ne3A_876 = arith.constant 0 : i32
        %ne3A_877 = arith.cmpi ne, %rem3A_875, %ne3A_876 : i32
        %and3A_878 = arith.andi %ne3A_874, %ne3A_877 : i1
        %sub3A_879 = arith.constant 1 : i32
        %sub3A_880 = arith.subi %div3A_859, %sub3A_879 : i32
        %select_n3A_881 = arith.select %and3A_878, %sub3A_880, %div3A_859 : i32
        %add3A_882 = arith.addi %mul3A_2, %select_n3A_881 : i32
        %jit3A_883 = arith.constant 128 : i32
        %div3A_884 = arith.divsi %add3A_882, %jit3A_883 : i32
        %sign3A_885 = arith.constant 0 : i32
        %sign3A_886 = arith.cmpi sgt, %add3A_882, %sign3A_885 : i32
        %sign3A_887 = arith.extui %sign3A_886 : i1 to i32
        %sign3A_888 = arith.constant 0 : i32
        %sign3A_889 = arith.cmpi slt, %add3A_882, %sign3A_888 : i32
        %sign3A_890 = arith.extui %sign3A_889 : i1 to i32
        %sign3A_891 = arith.subi %sign3A_887, %sign3A_890 : i32
        %sign3A_892 = arith.constant 0 : i32
        %sign3A_893 = arith.cmpi sgt, %jit3A_883, %sign3A_892 : i32
        %sign3A_894 = arith.extui %sign3A_893 : i1 to i32
        %sign3A_895 = arith.constant 0 : i32
        %sign3A_896 = arith.cmpi slt, %jit3A_883, %sign3A_895 : i32
        %sign3A_897 = arith.extui %sign3A_896 : i1 to i32
        %sign3A_898 = arith.subi %sign3A_894, %sign3A_897 : i32
        %ne3A_899 = arith.cmpi ne, %sign3A_891, %sign3A_898 : i32
        %rem3A_900 = arith.remsi %add3A_882, %jit3A_883 : i32
        %ne3A_901 = arith.constant 0 : i32
        %ne3A_902 = arith.cmpi ne, %rem3A_900, %ne3A_901 : i32
        %and3A_903 = arith.andi %ne3A_899, %ne3A_902 : i1
        %sub3A_904 = arith.constant 1 : i32
        %sub3A_905 = arith.subi %div3A_884, %sub3A_904 : i32
        %select_n3A_906 = arith.select %and3A_903, %sub3A_905, %div3A_884 : i32
        %jit3A_907 = arith.constant 128 : i32
        %eq3A_908 = arith.constant 0 : i32
        %eq3A_909 = arith.cmpi eq, %jit3A_907, %eq3A_908 : i32
        %jit3A_910 = arith.constant 1 : i32
        %select_n3A_911 = arith.select %eq3A_909, %jit3A_910, %jit3A_907 : i32
        %rem3A_912 = arith.remsi %add3A_882, %select_n3A_911 : i32
        %ne3A_913 = arith.constant 0 : i32
        %ne3A_914 = arith.cmpi ne, %rem3A_912, %ne3A_913 : i32
        %lt3A_915 = arith.constant 0 : i32
        %lt3A_916 = arith.cmpi slt, %rem3A_912, %lt3A_915 : i32
        %lt3A_917 = arith.constant 0 : i32
        %lt3A_918 = arith.cmpi slt, %select_n3A_911, %lt3A_917 : i32
        %ne3A_919 = arith.xori %lt3A_916, %lt3A_918 : i1
        %and3A_920 = arith.andi %ne3A_919, %ne3A_914 : i1
        %add3A_921 = arith.addi %rem3A_912, %select_n3A_911 : i32
        %select_n3A_922 = arith.select %and3A_920, %add3A_921, %rem3A_912 : i32
        %mul3A_923 = arith.constant 8 : i32
        %mul3A_924 = arith.muli %select_n3A_906, %mul3A_923 : i32
        %jit3A_925 = arith.constant 2 : i32
        %eq3A_926 = arith.constant 0 : i32
        %eq3A_927 = arith.cmpi eq, %jit3A_925, %eq3A_926 : i32
        %jit3A_928 = arith.constant 1 : i32
        %select_n3A_929 = arith.select %eq3A_927, %jit3A_928, %jit3A_925 : i32
        %rem3A_930 = arith.remsi %add3A_857, %select_n3A_929 : i32
        %ne3A_931 = arith.constant 0 : i32
        %ne3A_932 = arith.cmpi ne, %rem3A_930, %ne3A_931 : i32
        %lt3A_933 = arith.constant 0 : i32
        %lt3A_934 = arith.cmpi slt, %rem3A_930, %lt3A_933 : i32
        %lt3A_935 = arith.constant 0 : i32
        %lt3A_936 = arith.cmpi slt, %select_n3A_929, %lt3A_935 : i32
        %ne3A_937 = arith.xori %lt3A_934, %lt3A_936 : i1
        %and3A_938 = arith.andi %ne3A_937, %ne3A_932 : i1
        %add3A_939 = arith.addi %rem3A_930, %select_n3A_929 : i32
        %select_n3A_940 = arith.select %and3A_938, %add3A_939, %rem3A_930 : i32
        %mul3A_941 = arith.constant 4 : i32
        %mul3A_942 = arith.muli %select_n3A_940, %mul3A_941 : i32
        %add3A_943 = arith.addi %mul3A_924, %mul3A_942 : i32
        %jit3A_944 = arith.constant 2 : i32
        %eq3A_945 = arith.constant 0 : i32
        %eq3A_946 = arith.cmpi eq, %jit3A_944, %eq3A_945 : i32
        %jit3A_947 = arith.constant 1 : i32
        %select_n3A_948 = arith.select %eq3A_946, %jit3A_947, %jit3A_944 : i32
        %rem3A_949 = arith.remsi %add3A_857, %select_n3A_948 : i32
        %ne3A_950 = arith.constant 0 : i32
        %ne3A_951 = arith.cmpi ne, %rem3A_949, %ne3A_950 : i32
        %lt3A_952 = arith.constant 0 : i32
        %lt3A_953 = arith.cmpi slt, %rem3A_949, %lt3A_952 : i32
        %lt3A_954 = arith.constant 0 : i32
        %lt3A_955 = arith.cmpi slt, %select_n3A_948, %lt3A_954 : i32
        %ne3A_956 = arith.xori %lt3A_953, %lt3A_955 : i1
        %and3A_957 = arith.andi %ne3A_956, %ne3A_951 : i1
        %add3A_958 = arith.addi %rem3A_949, %select_n3A_948 : i32
        %select_n3A_959 = arith.select %and3A_957, %add3A_958, %rem3A_949 : i32
        %mul3A_960 = arith.constant 4 : i32
        %mul3A_961 = arith.muli %select_n3A_959, %mul3A_960 : i32
        %dma_wait3A_962 = arith.constant 0 : i32
        %dma_wait3A_963 = arith.constant 0 : i32
        %dma_wait3A_964 = arith.constant 0 : i32
        %dma_wait3A_965 = arith.constant 0 : i32
        %dma_wait3A_966 = tpu.memref_slice %arg5[%dma_wait3A_962, %dma_wait3A_964, %dma_wait3A_965] : memref<2x4x128xi32, #tpu.memory_space<vmem>> -> memref<1x4x128xi32, #tpu.memory_space<vmem>>
        %dma_wait3A_967 = tpu.memref_squeeze %dma_wait3A_966 : memref<1x4x128xi32, #tpu.memory_space<vmem>> -> memref<4x128xi32, #tpu.memory_space<vmem>>
        %dma_wait3A_968 = arith.constant 0 : i32
        %dma_wait3A_969 = tpu.memref_slice %arg2[%select_n3A_906, %select_n3A_922, %mul3A_961, %dma_wait3A_968] : memref<25x128x8x128xi32, #tpu.memory_space<hbm>> -> memref<1x1x4x128xi32, #tpu.memory_space<hbm>>
        %dma_wait3A_970 = tpu.memref_squeeze %dma_wait3A_969 : memref<1x1x4x128xi32, #tpu.memory_space<hbm>> -> memref<4x128xi32, #tpu.memory_space<hbm>>
        %dma_wait3A_971 = tpu.memref_slice %arg8[%dma_wait3A_963] : memref<2x!tpu.dma_semaphore, #tpu.memory_space<semaphore_mem>> -> memref<1x!tpu.dma_semaphore, #tpu.memory_space<semaphore_mem>>
        %dma_wait3A_972 = tpu.memref_squeeze %dma_wait3A_971 : memref<1x!tpu.dma_semaphore, #tpu.memory_space<semaphore_mem>> -> memref<!tpu.dma_semaphore, #tpu.memory_space<semaphore_mem>>
        %dma_wait3A_973 = arith.constant 0 : i32
        %dma_wait3A_974 = arith.constant 0 : i32
        %dma_wait3A_975 = tpu.memref_slice %arg5[%dma_wait3A_962, %dma_wait3A_973, %dma_wait3A_974] : memref<2x4x128xi32, #tpu.memory_space<vmem>> -> memref<1x4x128xi32, #tpu.memory_space<vmem>>
        %dma_wait3A_976 = tpu.memref_squeeze %dma_wait3A_975 : memref<1x4x128xi32, #tpu.memory_space<vmem>> -> memref<4x128xi32, #tpu.memory_space<vmem>>
        %dma_wait3A_977 = arith.constant 0 : i32
        %dma_wait3A_978 = tpu.memref_slice %arg2[%select_n3A_906, %select_n3A_922, %mul3A_961, %dma_wait3A_977] : memref<25x128x8x128xi32, #tpu.memory_space<hbm>> -> memref<1x1x4x128xi32, #tpu.memory_space<hbm>>
        %dma_wait3A_979 = tpu.memref_squeeze %dma_wait3A_978 : memref<1x1x4x128xi32, #tpu.memory_space<hbm>> -> memref<4x128xi32, #tpu.memory_space<hbm>>
        tpu.wait_dma2 semaphore(%dma_wait3A_972 : memref<!tpu.dma_semaphore, #tpu.memory_space<semaphore_mem>>) src(%dma_wait3A_979 : memref<4x128xi32, #tpu.memory_space<hbm>>) dst(%dma_wait3A_976 : memref<4x128xi32, #tpu.memory_space<vmem>>)
        %dma_start3A_980 = arith.constant 0 : i32
        %dma_start3A_981 = arith.constant 0 : i32
        %dma_start3A_982 = arith.constant 0 : i32
        %dma_start3A_983 = arith.constant 0 : i32
        %dma_start3A_984 = arith.constant 0 : i32
        %dma_start3A_985 = arith.constant 0 : i32
        %dma_start3A_986 = tpu.memref_slice %arg6[%dma_start3A_982, %dma_start3A_984, %dma_start3A_985] : memref<2x512x32xf32, #tpu.memory_space<vmem>> -> memref<1x128x32xf32, #tpu.memory_space<vmem>>
        %dma_start3A_987 = tpu.memref_squeeze %dma_start3A_986 : memref<1x128x32xf32, #tpu.memory_space<vmem>> -> memref<128x32xf32, #tpu.memory_space<vmem>>
        %dma_start3A_988 = arith.constant 0 : i32
        %dma_start3A_989 = tpu.memref_slice %arg5[%dma_start3A_980, %dma_start3A_981, %dma_start3A_988] : memref<2x4x128xi32, #tpu.memory_space<vmem>> -> memref<1x1x128xi32, #tpu.memory_space<vmem>>
        %dma_start3A_990 = tpu.memref_squeeze %dma_start3A_989 : memref<1x1x128xi32, #tpu.memory_space<vmem>> -> memref<128xi32, #tpu.memory_space<vmem>>
        %dma_start3A_991 = arith.constant 0 : i32
        %dma_start3A_992 = arith.constant 0 : i32
        %dma_start3A_993 = tpu.memref_slice %arg3[%dma_start3A_991, %dma_start3A_992] : memref<1000000x32xf32, #tpu.memory_space<hbm>> -> memref<1000000x32xf32, #tpu.memory_space<hbm>>
        %dma_start3A_994 = tpu.memref_slice %arg9[%dma_start3A_983] : memref<2x!tpu.dma_semaphore, #tpu.memory_space<semaphore_mem>> -> memref<1x!tpu.dma_semaphore, #tpu.memory_space<semaphore_mem>>
        %dma_start3A_995 = tpu.memref_squeeze %dma_start3A_994 : memref<1x!tpu.dma_semaphore, #tpu.memory_space<semaphore_mem>> -> memref<!tpu.dma_semaphore, #tpu.memory_space<semaphore_mem>>
        tpu.enqueue_indirect_dma source(%dma_start3A_993 : memref<1000000x32xf32, #tpu.memory_space<hbm>>) target(%dma_start3A_987 : memref<128x32xf32, #tpu.memory_space<vmem>>) offsets(%dma_start3A_990 : memref<128xi32, #tpu.memory_space<vmem>>) semaphore(%dma_start3A_995 : memref<!tpu.dma_semaphore, #tpu.memory_space<semaphore_mem>>)
        %dma_start3A_996 = arith.constant 0 : i32
        %dma_start3A_997 = arith.constant 1 : i32
        %dma_start3A_998 = arith.constant 0 : i32
        %dma_start3A_999 = arith.constant 0 : i32
        %dma_start3A_1000 = arith.constant 128 : i32
        %dma_start3A_1001 = arith.constant 0 : i32
        %dma_start3A_1002 = tpu.memref_slice %arg6[%dma_start3A_998, %dma_start3A_1000, %dma_start3A_1001] : memref<2x512x32xf32, #tpu.memory_space<vmem>> -> memref<1x128x32xf32, #tpu.memory_space<vmem>>
        %dma_start3A_1003 = tpu.memref_squeeze %dma_start3A_1002 : memref<1x128x32xf32, #tpu.memory_space<vmem>> -> memref<128x32xf32, #tpu.memory_space<vmem>>
        %dma_start3A_1004 = arith.constant 0 : i32
        %dma_start3A_1005 = tpu.memref_slice %arg5[%dma_start3A_996, %dma_start3A_997, %dma_start3A_1004] : memref<2x4x128xi32, #tpu.memory_space<vmem>> -> memref<1x1x128xi32, #tpu.memory_space<vmem>>
        %dma_start3A_1006 = tpu.memref_squeeze %dma_start3A_1005 : memref<1x1x128xi32, #tpu.memory_space<vmem>> -> memref<128xi32, #tpu.memory_space<vmem>>
        %dma_start3A_1007 = arith.constant 0 : i32
        %dma_start3A_1008 = arith.constant 0 : i32
        %dma_start3A_1009 = tpu.memref_slice %arg3[%dma_start3A_1007, %dma_start3A_1008] : memref<1000000x32xf32, #tpu.memory_space<hbm>> -> memref<1000000x32xf32, #tpu.memory_space<hbm>>
        %dma_start3A_1010 = tpu.memref_slice %arg9[%dma_start3A_999] : memref<2x!tpu.dma_semaphore, #tpu.memory_space<semaphore_mem>> -> memref<1x!tpu.dma_semaphore, #tpu.memory_space<semaphore_mem>>
        %dma_start3A_1011 = tpu.memref_squeeze %dma_start3A_1010 : memref<1x!tpu.dma_semaphore, #tpu.memory_space<semaphore_mem>> -> memref<!tpu.dma_semaphore, #tpu.memory_space<semaphore_mem>>
        tpu.enqueue_indirect_dma source(%dma_start3A_1009 : memref<1000000x32xf32, #tpu.memory_space<hbm>>) target(%dma_start3A_1003 : memref<128x32xf32, #tpu.memory_space<vmem>>) offsets(%dma_start3A_1006 : memref<128xi32, #tpu.memory_space<vmem>>) semaphore(%dma_start3A_1011 : memref<!tpu.dma_semaphore, #tpu.memory_space<semaphore_mem>>)
        %dma_start3A_1012 = arith.constant 0 : i32
        %dma_start3A_1013 = arith.constant 2 : i32
        %dma_start3A_1014 = arith.constant 0 : i32
        %dma_start3A_1015 = arith.constant 0 : i32
        %dma_start3A_1016 = arith.constant 256 : i32
        %dma_start3A_1017 = arith.constant 0 : i32
        %dma_start3A_1018 = tpu.memref_slice %arg6[%dma_start3A_1014, %dma_start3A_1016, %dma_start3A_1017] : memref<2x512x32xf32, #tpu.memory_space<vmem>> -> memref<1x128x32xf32, #tpu.memory_space<vmem>>
        %dma_start3A_1019 = tpu.memref_squeeze %dma_start3A_1018 : memref<1x128x32xf32, #tpu.memory_space<vmem>> -> memref<128x32xf32, #tpu.memory_space<vmem>>
        %dma_start3A_1020 = arith.constant 0 : i32
        %dma_start3A_1021 = tpu.memref_slice %arg5[%dma_start3A_1012, %dma_start3A_1013, %dma_start3A_1020] : memref<2x4x128xi32, #tpu.memory_space<vmem>> -> memref<1x1x128xi32, #tpu.memory_space<vmem>>
        %dma_start3A_1022 = tpu.memref_squeeze %dma_start3A_1021 : memref<1x1x128xi32, #tpu.memory_space<vmem>> -> memref<128xi32, #tpu.memory_space<vmem>>
        %dma_start3A_1023 = arith.constant 0 : i32
        %dma_start3A_1024 = arith.constant 0 : i32
        %dma_start3A_1025 = tpu.memref_slice %arg3[%dma_start3A_1023, %dma_start3A_1024] : memref<1000000x32xf32, #tpu.memory_space<hbm>> -> memref<1000000x32xf32, #tpu.memory_space<hbm>>
        %dma_start3A_1026 = tpu.memref_slice %arg9[%dma_start3A_1015] : memref<2x!tpu.dma_semaphore, #tpu.memory_space<semaphore_mem>> -> memref<1x!tpu.dma_semaphore, #tpu.memory_space<semaphore_mem>>
        %dma_start3A_1027 = tpu.memref_squeeze %dma_start3A_1026 : memref<1x!tpu.dma_semaphore, #tpu.memory_space<semaphore_mem>> -> memref<!tpu.dma_semaphore, #tpu.memory_space<semaphore_mem>>
        tpu.enqueue_indirect_dma source(%dma_start3A_1025 : memref<1000000x32xf32, #tpu.memory_space<hbm>>) target(%dma_start3A_1019 : memref<128x32xf32, #tpu.memory_space<vmem>>) offsets(%dma_start3A_1022 : memref<128xi32, #tpu.memory_space<vmem>>) semaphore(%dma_start3A_1027 : memref<!tpu.dma_semaphore, #tpu.memory_space<semaphore_mem>>)
        %dma_start3A_1028 = arith.constant 0 : i32
        %dma_start3A_1029 = arith.constant 3 : i32
        %dma_start3A_1030 = arith.constant 0 : i32
        %dma_start3A_1031 = arith.constant 0 : i32
        %dma_start3A_1032 = arith.constant 384 : i32
        %dma_start3A_1033 = arith.constant 0 : i32
        %dma_start3A_1034 = tpu.memref_slice %arg6[%dma_start3A_1030, %dma_start3A_1032, %dma_start3A_1033] : memref<2x512x32xf32, #tpu.memory_space<vmem>> -> memref<1x128x32xf32, #tpu.memory_space<vmem>>
        %dma_start3A_1035 = tpu.memref_squeeze %dma_start3A_1034 : memref<1x128x32xf32, #tpu.memory_space<vmem>> -> memref<128x32xf32, #tpu.memory_space<vmem>>
        %dma_start3A_1036 = arith.constant 0 : i32
        %dma_start3A_1037 = tpu.memref_slice %arg5[%dma_start3A_1028, %dma_start3A_1029, %dma_start3A_1036] : memref<2x4x128xi32, #tpu.memory_space<vmem>> -> memref<1x1x128xi32, #tpu.memory_space<vmem>>
        %dma_start3A_1038 = tpu.memref_squeeze %dma_start3A_1037 : memref<1x1x128xi32, #tpu.memory_space<vmem>> -> memref<128xi32, #tpu.memory_space<vmem>>
        %dma_start3A_1039 = arith.constant 0 : i32
        %dma_start3A_1040 = arith.constant 0 : i32
        %dma_start3A_1041 = tpu.memref_slice %arg3[%dma_start3A_1039, %dma_start3A_1040] : memref<1000000x32xf32, #tpu.memory_space<hbm>> -> memref<1000000x32xf32, #tpu.memory_space<hbm>>
        %dma_start3A_1042 = tpu.memref_slice %arg9[%dma_start3A_1031] : memref<2x!tpu.dma_semaphore, #tpu.memory_space<semaphore_mem>> -> memref<1x!tpu.dma_semaphore, #tpu.memory_space<semaphore_mem>>
        %dma_start3A_1043 = tpu.memref_squeeze %dma_start3A_1042 : memref<1x!tpu.dma_semaphore, #tpu.memory_space<semaphore_mem>> -> memref<!tpu.dma_semaphore, #tpu.memory_space<semaphore_mem>>
        tpu.enqueue_indirect_dma source(%dma_start3A_1041 : memref<1000000x32xf32, #tpu.memory_space<hbm>>) target(%dma_start3A_1035 : memref<128x32xf32, #tpu.memory_space<vmem>>) offsets(%dma_start3A_1038 : memref<128xi32, #tpu.memory_space<vmem>>) semaphore(%dma_start3A_1043 : memref<!tpu.dma_semaphore, #tpu.memory_space<semaphore_mem>>)
      } else {
      }
      %add3A_664 = arith.constant 2 : i32
      %add3A_665 = arith.addi %add3A_633, %add3A_664 : i32
      %lt3A_666 = arith.constant 200 : i32
      %lt3A_667 = arith.cmpi slt, %add3A_665, %lt3A_666 : i32
      %convert_element_type3A_668 = arith.extui %lt3A_667 : i1 to i32
      %cond3A_669 = arith.constant 0 : i32
      %cond3A_670 = arith.cmpi ne, %convert_element_type3A_668, %cond3A_669 : i32
      scf.if %cond3A_670 {
        %add3A_856 = arith.constant 2 : i32
        %add3A_857 = arith.addi %add3A_633, %add3A_856 : i32
        %jit3A_858 = arith.constant 2 : i32
        %div3A_859 = arith.divsi %add3A_857, %jit3A_858 : i32
        %sign3A_860 = arith.constant 0 : i32
        %sign3A_861 = arith.cmpi sgt, %add3A_857, %sign3A_860 : i32
        %sign3A_862 = arith.extui %sign3A_861 : i1 to i32
        %sign3A_863 = arith.constant 0 : i32
        %sign3A_864 = arith.cmpi slt, %add3A_857, %sign3A_863 : i32
        %sign3A_865 = arith.extui %sign3A_864 : i1 to i32
        %sign3A_866 = arith.subi %sign3A_862, %sign3A_865 : i32
        %sign3A_867 = arith.constant 0 : i32
        %sign3A_868 = arith.cmpi sgt, %jit3A_858, %sign3A_867 : i32
        %sign3A_869 = arith.extui %sign3A_868 : i1 to i32
        %sign3A_870 = arith.constant 0 : i32
        %sign3A_871 = arith.cmpi slt, %jit3A_858, %sign3A_870 : i32
        %sign3A_872 = arith.extui %sign3A_871 : i1 to i32
        %sign3A_873 = arith.subi %sign3A_869, %sign3A_872 : i32
        %ne3A_874 = arith.cmpi ne, %sign3A_866, %sign3A_873 : i32
        %rem3A_875 = arith.remsi %add3A_857, %jit3A_858 : i32
        %ne3A_876 = arith.constant 0 : i32
        %ne3A_877 = arith.cmpi ne, %rem3A_875, %ne3A_876 : i32
        %and3A_878 = arith.andi %ne3A_874, %ne3A_877 : i1
        %sub3A_879 = arith.constant 1 : i32
        %sub3A_880 = arith.subi %div3A_859, %sub3A_879 : i32
        %select_n3A_881 = arith.select %and3A_878, %sub3A_880, %div3A_859 : i32
        %add3A_882 = arith.addi %mul3A_2, %select_n3A_881 : i32
        %jit3A_883 = arith.constant 128 : i32
        %div3A_884 = arith.divsi %add3A_882, %jit3A_883 : i32
        %sign3A_885 = arith.constant 0 : i32
        %sign3A_886 = arith.cmpi sgt, %add3A_882, %sign3A_885 : i32
        %sign3A_887 = arith.extui %sign3A_886 : i1 to i32
        %sign3A_888 = arith.constant 0 : i32
        %sign3A_889 = arith.cmpi slt, %add3A_882, %sign3A_888 : i32
        %sign3A_890 = arith.extui %sign3A_889 : i1 to i32
        %sign3A_891 = arith.subi %sign3A_887, %sign3A_890 : i32
        %sign3A_892 = arith.constant 0 : i32
        %sign3A_893 = arith.cmpi sgt, %jit3A_883, %sign3A_892 : i32
        %sign3A_894 = arith.extui %sign3A_893 : i1 to i32
        %sign3A_895 = arith.constant 0 : i32
        %sign3A_896 = arith.cmpi slt, %jit3A_883, %sign3A_895 : i32
        %sign3A_897 = arith.extui %sign3A_896 : i1 to i32
        %sign3A_898 = arith.subi %sign3A_894, %sign3A_897 : i32
        %ne3A_899 = arith.cmpi ne, %sign3A_891, %sign3A_898 : i32
        %rem3A_900 = arith.remsi %add3A_882, %jit3A_883 : i32
        %ne3A_901 = arith.constant 0 : i32
        %ne3A_902 = arith.cmpi ne, %rem3A_900, %ne3A_901 : i32
        %and3A_903 = arith.andi %ne3A_899, %ne3A_902 : i1
        %sub3A_904 = arith.constant 1 : i32
        %sub3A_905 = arith.subi %div3A_884, %sub3A_904 : i32
        %select_n3A_906 = arith.select %and3A_903, %sub3A_905, %div3A_884 : i32
        %jit3A_907 = arith.constant 128 : i32
        %eq3A_908 = arith.constant 0 : i32
        %eq3A_909 = arith.cmpi eq, %jit3A_907, %eq3A_908 : i32
        %jit3A_910 = arith.constant 1 : i32
        %select_n3A_911 = arith.select %eq3A_909, %jit3A_910, %jit3A_907 : i32
        %rem3A_912 = arith.remsi %add3A_882, %select_n3A_911 : i32
        %ne3A_913 = arith.constant 0 : i32
        %ne3A_914 = arith.cmpi ne, %rem3A_912, %ne3A_913 : i32
        %lt3A_915 = arith.constant 0 : i32
        %lt3A_916 = arith.cmpi slt, %rem3A_912, %lt3A_915 : i32
        %lt3A_917 = arith.constant 0 : i32
        %lt3A_918 = arith.cmpi slt, %select_n3A_911, %lt3A_917 : i32
        %ne3A_919 = arith.xori %lt3A_916, %lt3A_918 : i1
        %and3A_920 = arith.andi %ne3A_919, %ne3A_914 : i1
        %add3A_921 = arith.addi %rem3A_912, %select_n3A_911 : i32
        %select_n3A_922 = arith.select %and3A_920, %add3A_921, %rem3A_912 : i32
        %mul3A_923 = arith.constant 8 : i32
        %mul3A_924 = arith.muli %select_n3A_906, %mul3A_923 : i32
        %jit3A_925 = arith.constant 2 : i32
        %eq3A_926 = arith.constant 0 : i32
        %eq3A_927 = arith.cmpi eq, %jit3A_925, %eq3A_926 : i32
        %jit3A_928 = arith.constant 1 : i32
        %select_n3A_929 = arith.select %eq3A_927, %jit3A_928, %jit3A_925 : i32
        %rem3A_930 = arith.remsi %add3A_857, %select_n3A_929 : i32
        %ne3A_931 = arith.constant 0 : i32
        %ne3A_932 = arith.cmpi ne, %rem3A_930, %ne3A_931 : i32
        %lt3A_933 = arith.constant 0 : i32
        %lt3A_934 = arith.cmpi slt, %rem3A_930, %lt3A_933 : i32
        %lt3A_935 = arith.constant 0 : i32
        %lt3A_936 = arith.cmpi slt, %select_n3A_929, %lt3A_935 : i32
        %ne3A_937 = arith.xori %lt3A_934, %lt3A_936 : i1
        %and3A_938 = arith.andi %ne3A_937, %ne3A_932 : i1
        %add3A_939 = arith.addi %rem3A_930, %select_n3A_929 : i32
        %select_n3A_940 = arith.select %and3A_938, %add3A_939, %rem3A_930 : i32
        %mul3A_941 = arith.constant 4 : i32
        %mul3A_942 = arith.muli %select_n3A_940, %mul3A_941 : i32
        %add3A_943 = arith.addi %mul3A_924, %mul3A_942 : i32
        %jit3A_944 = arith.constant 2 : i32
        %eq3A_945 = arith.constant 0 : i32
        %eq3A_946 = arith.cmpi eq, %jit3A_944, %eq3A_945 : i32
        %jit3A_947 = arith.constant 1 : i32
        %select_n3A_948 = arith.select %eq3A_946, %jit3A_947, %jit3A_944 : i32
        %rem3A_949 = arith.remsi %add3A_857, %select_n3A_948 : i32
        %ne3A_950 = arith.constant 0 : i32
        %ne3A_951 = arith.cmpi ne, %rem3A_949, %ne3A_950 : i32
        %lt3A_952 = arith.constant 0 : i32
        %lt3A_953 = arith.cmpi slt, %rem3A_949, %lt3A_952 : i32
        %lt3A_954 = arith.constant 0 : i32
        %lt3A_955 = arith.cmpi slt, %select_n3A_948, %lt3A_954 : i32
        %ne3A_956 = arith.xori %lt3A_953, %lt3A_955 : i1
        %and3A_957 = arith.andi %ne3A_956, %ne3A_951 : i1
        %add3A_958 = arith.addi %rem3A_949, %select_n3A_948 : i32
        %select_n3A_959 = arith.select %and3A_957, %add3A_958, %rem3A_949 : i32
        %mul3A_960 = arith.constant 4 : i32
        %mul3A_961 = arith.muli %select_n3A_959, %mul3A_960 : i32
        %dma_start3A_962 = arith.constant 1 : i32
        %dma_start3A_963 = arith.constant 1 : i32
        %dma_start3A_964 = arith.constant 0 : i32
        %dma_start3A_965 = arith.constant 0 : i32
        %dma_start3A_966 = tpu.memref_slice %arg5[%dma_start3A_962, %dma_start3A_964, %dma_start3A_965] : memref<2x4x128xi32, #tpu.memory_space<vmem>> -> memref<1x4x128xi32, #tpu.memory_space<vmem>>
        %dma_start3A_967 = tpu.memref_squeeze %dma_start3A_966 : memref<1x4x128xi32, #tpu.memory_space<vmem>> -> memref<4x128xi32, #tpu.memory_space<vmem>>
        %dma_start3A_968 = arith.constant 0 : i32
        %dma_start3A_969 = tpu.memref_slice %arg2[%select_n3A_906, %select_n3A_922, %mul3A_961, %dma_start3A_968] : memref<25x128x8x128xi32, #tpu.memory_space<hbm>> -> memref<1x1x4x128xi32, #tpu.memory_space<hbm>>
        %dma_start3A_970 = tpu.memref_squeeze %dma_start3A_969 : memref<1x1x4x128xi32, #tpu.memory_space<hbm>> -> memref<4x128xi32, #tpu.memory_space<hbm>>
        %dma_start3A_971 = tpu.memref_slice %arg8[%dma_start3A_963] : memref<2x!tpu.dma_semaphore, #tpu.memory_space<semaphore_mem>> -> memref<1x!tpu.dma_semaphore, #tpu.memory_space<semaphore_mem>>
        %dma_start3A_972 = tpu.memref_squeeze %dma_start3A_971 : memref<1x!tpu.dma_semaphore, #tpu.memory_space<semaphore_mem>> -> memref<!tpu.dma_semaphore, #tpu.memory_space<semaphore_mem>>
        %dma_start3A_973 = arith.constant 0 : i32
        %dma_start3A_974 = arith.constant 0 : i32
        %dma_start3A_975 = tpu.memref_slice %arg5[%dma_start3A_962, %dma_start3A_973, %dma_start3A_974] : memref<2x4x128xi32, #tpu.memory_space<vmem>> -> memref<1x4x128xi32, #tpu.memory_space<vmem>>
        %dma_start3A_976 = tpu.memref_squeeze %dma_start3A_975 : memref<1x4x128xi32, #tpu.memory_space<vmem>> -> memref<4x128xi32, #tpu.memory_space<vmem>>
        %dma_start3A_977 = arith.constant 0 : i32
        %dma_start3A_978 = tpu.memref_slice %arg2[%select_n3A_906, %select_n3A_922, %mul3A_961, %dma_start3A_977] : memref<25x128x8x128xi32, #tpu.memory_space<hbm>> -> memref<1x1x4x128xi32, #tpu.memory_space<hbm>>
        %dma_start3A_979 = tpu.memref_squeeze %dma_start3A_978 : memref<1x1x4x128xi32, #tpu.memory_space<hbm>> -> memref<4x128xi32, #tpu.memory_space<hbm>>
        tpu.enqueue_dma source(%dma_start3A_979 : memref<4x128xi32, #tpu.memory_space<hbm>>) target(%dma_start3A_976 : memref<4x128xi32, #tpu.memory_space<vmem>>) target_semaphore(%dma_start3A_972 : memref<!tpu.dma_semaphore, #tpu.memory_space<semaphore_mem>>)
      } else {
      }
      %parallel_loop3A_671 = arith.constant 0 : i32
      %parallel_loop3A_672 = arith.constant 1024 : i32
      %parallel_loop3A_673 = arith.constant 1 : i32
      scf.for %parallel_loop3A_856 = %parallel_loop3A_671 to %parallel_loop3A_672 step %parallel_loop3A_673  : i32 {
        %parallel_loop3A_857 = arith.constant 32 : i32
        %parallel_loop3A_858 = arith.divsi %parallel_loop3A_856, %parallel_loop3A_857 : i32
        %parallel_loop3A_859 = arith.constant 0 : i32
        %parallel_loop3A_860 = arith.cmpi sgt, %parallel_loop3A_856, %parallel_loop3A_859 : i32
        %parallel_loop3A_861 = arith.extui %parallel_loop3A_860 : i1 to i32
        %parallel_loop3A_862 = arith.constant 0 : i32
        %parallel_loop3A_863 = arith.cmpi slt, %parallel_loop3A_856, %parallel_loop3A_862 : i32
        %parallel_loop3A_864 = arith.extui %parallel_loop3A_863 : i1 to i32
        %parallel_loop3A_865 = arith.subi %parallel_loop3A_861, %parallel_loop3A_864 : i32
        %parallel_loop3A_866 = arith.constant 0 : i32
        %parallel_loop3A_867 = arith.cmpi sgt, %parallel_loop3A_857, %parallel_loop3A_866 : i32
        %parallel_loop3A_868 = arith.extui %parallel_loop3A_867 : i1 to i32
        %parallel_loop3A_869 = arith.constant 0 : i32
        %parallel_loop3A_870 = arith.cmpi slt, %parallel_loop3A_857, %parallel_loop3A_869 : i32
        %parallel_loop3A_871 = arith.extui %parallel_loop3A_870 : i1 to i32
        %parallel_loop3A_872 = arith.subi %parallel_loop3A_868, %parallel_loop3A_871 : i32
        %parallel_loop3A_873 = arith.cmpi ne, %parallel_loop3A_865, %parallel_loop3A_872 : i32
        %parallel_loop3A_874 = arith.remsi %parallel_loop3A_856, %parallel_loop3A_857 : i32
        %parallel_loop3A_875 = arith.constant 0 : i32
        %parallel_loop3A_876 = arith.cmpi ne, %parallel_loop3A_874, %parallel_loop3A_875 : i32
        %parallel_loop3A_877 = arith.andi %parallel_loop3A_873, %parallel_loop3A_876 : i1
        %parallel_loop3A_878 = arith.constant 1 : i32
        %parallel_loop3A_879 = arith.subi %parallel_loop3A_858, %parallel_loop3A_878 : i32
        %parallel_loop3A_880 = arith.select %parallel_loop3A_877, %parallel_loop3A_879, %parallel_loop3A_858 : i32
        %parallel_loop3A_881 = arith.constant 32 : i32
        %parallel_loop3A_882 = arith.constant 0 : i32
        %parallel_loop3A_883 = arith.cmpi eq, %parallel_loop3A_881, %parallel_loop3A_882 : i32
        %parallel_loop3A_884 = arith.constant 1 : i32
        %parallel_loop3A_885 = arith.select %parallel_loop3A_883, %parallel_loop3A_884, %parallel_loop3A_881 : i32
        %parallel_loop3A_886 = arith.remsi %parallel_loop3A_856, %parallel_loop3A_885 : i32
        %parallel_loop3A_887 = arith.constant 0 : i32
        %parallel_loop3A_888 = arith.cmpi ne, %parallel_loop3A_886, %parallel_loop3A_887 : i32
        %parallel_loop3A_889 = arith.constant 0 : i32
        %parallel_loop3A_890 = arith.cmpi slt, %parallel_loop3A_886, %parallel_loop3A_889 : i32
        %parallel_loop3A_891 = arith.constant 0 : i32
        %parallel_loop3A_892 = arith.cmpi slt, %parallel_loop3A_885, %parallel_loop3A_891 : i32
        %parallel_loop3A_893 = arith.xori %parallel_loop3A_890, %parallel_loop3A_892 : i1
        %parallel_loop3A_894 = arith.andi %parallel_loop3A_893, %parallel_loop3A_888 : i1
        %parallel_loop3A_895 = arith.addi %parallel_loop3A_886, %parallel_loop3A_885 : i32
        %parallel_loop3A_896 = arith.select %parallel_loop3A_894, %parallel_loop3A_895, %parallel_loop3A_886 : i32
        %parallel_loop3A_897 = arith.constant 8 : i32
        %parallel_loop3A_898 = arith.divsi %parallel_loop3A_880, %parallel_loop3A_897 : i32
        %parallel_loop3A_899 = arith.constant 0 : i32
        %parallel_loop3A_900 = arith.cmpi sgt, %parallel_loop3A_880, %parallel_loop3A_899 : i32
        %parallel_loop3A_901 = arith.extui %parallel_loop3A_900 : i1 to i32
        %parallel_loop3A_902 = arith.constant 0 : i32
        %parallel_loop3A_903 = arith.cmpi slt, %parallel_loop3A_880, %parallel_loop3A_902 : i32
        %parallel_loop3A_904 = arith.extui %parallel_loop3A_903 : i1 to i32
        %parallel_loop3A_905 = arith.subi %parallel_loop3A_901, %parallel_loop3A_904 : i32
        %parallel_loop3A_906 = arith.constant 0 : i32
        %parallel_loop3A_907 = arith.cmpi sgt, %parallel_loop3A_897, %parallel_loop3A_906 : i32
        %parallel_loop3A_908 = arith.extui %parallel_loop3A_907 : i1 to i32
        %parallel_loop3A_909 = arith.constant 0 : i32
        %parallel_loop3A_910 = arith.cmpi slt, %parallel_loop3A_897, %parallel_loop3A_909 : i32
        %parallel_loop3A_911 = arith.extui %parallel_loop3A_910 : i1 to i32
        %parallel_loop3A_912 = arith.subi %parallel_loop3A_908, %parallel_loop3A_911 : i32
        %parallel_loop3A_913 = arith.cmpi ne, %parallel_loop3A_905, %parallel_loop3A_912 : i32
        %parallel_loop3A_914 = arith.remsi %parallel_loop3A_880, %parallel_loop3A_897 : i32
        %parallel_loop3A_915 = arith.constant 0 : i32
        %parallel_loop3A_916 = arith.cmpi ne, %parallel_loop3A_914, %parallel_loop3A_915 : i32
        %parallel_loop3A_917 = arith.andi %parallel_loop3A_913, %parallel_loop3A_916 : i1
        %parallel_loop3A_918 = arith.constant 1 : i32
        %parallel_loop3A_919 = arith.subi %parallel_loop3A_898, %parallel_loop3A_918 : i32
        %parallel_loop3A_920 = arith.select %parallel_loop3A_917, %parallel_loop3A_919, %parallel_loop3A_898 : i32
        %parallel_loop3A_921 = arith.constant 8 : i32
        %parallel_loop3A_922 = arith.constant 0 : i32
        %parallel_loop3A_923 = arith.cmpi eq, %parallel_loop3A_921, %parallel_loop3A_922 : i32
        %parallel_loop3A_924 = arith.constant 1 : i32
        %parallel_loop3A_925 = arith.select %parallel_loop3A_923, %parallel_loop3A_924, %parallel_loop3A_921 : i32
        %parallel_loop3A_926 = arith.remsi %parallel_loop3A_880, %parallel_loop3A_925 : i32
        %parallel_loop3A_927 = arith.constant 0 : i32
        %parallel_loop3A_928 = arith.cmpi ne, %parallel_loop3A_926, %parallel_loop3A_927 : i32
        %parallel_loop3A_929 = arith.constant 0 : i32
        %parallel_loop3A_930 = arith.cmpi slt, %parallel_loop3A_926, %parallel_loop3A_929 : i32
        %parallel_loop3A_931 = arith.constant 0 : i32
        %parallel_loop3A_932 = arith.cmpi slt, %parallel_loop3A_925, %parallel_loop3A_931 : i32
        %parallel_loop3A_933 = arith.xori %parallel_loop3A_930, %parallel_loop3A_932 : i1
        %parallel_loop3A_934 = arith.andi %parallel_loop3A_933, %parallel_loop3A_928 : i1
        %parallel_loop3A_935 = arith.addi %parallel_loop3A_926, %parallel_loop3A_925 : i32
        %parallel_loop3A_936 = arith.select %parallel_loop3A_934, %parallel_loop3A_935, %parallel_loop3A_926 : i32
        %parallel_loop3A_937 = arith.constant 8 : i32
        %parallel_loop3A_938 = arith.divsi %parallel_loop3A_896, %parallel_loop3A_937 : i32
        %parallel_loop3A_939 = arith.constant 0 : i32
        %parallel_loop3A_940 = arith.cmpi sgt, %parallel_loop3A_896, %parallel_loop3A_939 : i32
        %parallel_loop3A_941 = arith.extui %parallel_loop3A_940 : i1 to i32
        %parallel_loop3A_942 = arith.constant 0 : i32
        %parallel_loop3A_943 = arith.cmpi slt, %parallel_loop3A_896, %parallel_loop3A_942 : i32
        %parallel_loop3A_944 = arith.extui %parallel_loop3A_943 : i1 to i32
        %parallel_loop3A_945 = arith.subi %parallel_loop3A_941, %parallel_loop3A_944 : i32
        %parallel_loop3A_946 = arith.constant 0 : i32
        %parallel_loop3A_947 = arith.cmpi sgt, %parallel_loop3A_937, %parallel_loop3A_946 : i32
        %parallel_loop3A_948 = arith.extui %parallel_loop3A_947 : i1 to i32
        %parallel_loop3A_949 = arith.constant 0 : i32
        %parallel_loop3A_950 = arith.cmpi slt, %parallel_loop3A_937, %parallel_loop3A_949 : i32
        %parallel_loop3A_951 = arith.extui %parallel_loop3A_950 : i1 to i32
        %parallel_loop3A_952 = arith.subi %parallel_loop3A_948, %parallel_loop3A_951 : i32
        %parallel_loop3A_953 = arith.cmpi ne, %parallel_loop3A_945, %parallel_loop3A_952 : i32
        %parallel_loop3A_954 = arith.remsi %parallel_loop3A_896, %parallel_loop3A_937 : i32
        %parallel_loop3A_955 = arith.constant 0 : i32
        %parallel_loop3A_956 = arith.cmpi ne, %parallel_loop3A_954, %parallel_loop3A_955 : i32
        %parallel_loop3A_957 = arith.andi %parallel_loop3A_953, %parallel_loop3A_956 : i1
        %parallel_loop3A_958 = arith.constant 1 : i32
        %parallel_loop3A_959 = arith.subi %parallel_loop3A_938, %parallel_loop3A_958 : i32
        %parallel_loop3A_960 = arith.select %parallel_loop3A_957, %parallel_loop3A_959, %parallel_loop3A_938 : i32
        %parallel_loop3A_961 = arith.constant 8 : i32
        %parallel_loop3A_962 = arith.constant 0 : i32
        %parallel_loop3A_963 = arith.cmpi eq, %parallel_loop3A_961, %parallel_loop3A_962 : i32
        %parallel_loop3A_964 = arith.constant 1 : i32
        %parallel_loop3A_965 = arith.select %parallel_loop3A_963, %parallel_loop3A_964, %parallel_loop3A_961 : i32
        %parallel_loop3A_966 = arith.remsi %parallel_loop3A_896, %parallel_loop3A_965 : i32
        %parallel_loop3A_967 = arith.constant 0 : i32
        %parallel_loop3A_968 = arith.cmpi ne, %parallel_loop3A_966, %parallel_loop3A_967 : i32
        %parallel_loop3A_969 = arith.constant 0 : i32
        %parallel_loop3A_970 = arith.cmpi slt, %parallel_loop3A_966, %parallel_loop3A_969 : i32
        %parallel_loop3A_971 = arith.constant 0 : i32
        %parallel_loop3A_972 = arith.cmpi slt, %parallel_loop3A_965, %parallel_loop3A_971 : i32
        %parallel_loop3A_973 = arith.xori %parallel_loop3A_970, %parallel_loop3A_972 : i1
        %parallel_loop3A_974 = arith.andi %parallel_loop3A_973, %parallel_loop3A_968 : i1
        %parallel_loop3A_975 = arith.addi %parallel_loop3A_966, %parallel_loop3A_965 : i32
        %parallel_loop3A_976 = arith.select %parallel_loop3A_974, %parallel_loop3A_975, %parallel_loop3A_966 : i32
        %parallel_loop3A_977 = arith.constant 16 : i32
        %parallel_loop3A_978 = arith.muli %parallel_loop3A_880, %parallel_loop3A_977 : i32
        %parallel_loop3A_979 = vector.broadcast %parallel_loop3A_978 : i32 to vector<16xi32>
        %parallel_loop3A_980 = arith.addi %iota3A, %parallel_loop3A_979 : vector<16xi32>
        %parallel_loop3A_981 = arith.constant 0 : i32
        %parallel_loop3A_982 = vector.broadcast %parallel_loop3A_981 : i32 to vector<16xi32>
        %parallel_loop3A_983 = vector.broadcast %parallel_loop3A_896 : i32 to vector<16xi32>
        %parallel_loop3A_984 = arith.addi %parallel_loop3A_982, %parallel_loop3A_983 : vector<16xi32>
        %parallel_loop3A_985 = arith.constant 1 : i32
        %parallel_loop3A_986 = arith.constant 0 : i32
        %parallel_loop3A_987 = arith.constant 0 : i32
        %parallel_loop3A_988 = tpu.memref_slice %arg6[%parallel_loop3A_985, %parallel_loop3A_986, %parallel_loop3A_987] : memref<2x512x32xf32, #tpu.memory_space<vmem>> -> memref<1x512x32xf32, #tpu.memory_space<vmem>>
        %parallel_loop3A_989 = tpu.memref_squeeze %parallel_loop3A_988 : memref<1x512x32xf32, #tpu.memory_space<vmem>> -> memref<512x32xf32, #tpu.memory_space<vmem>>
        %parallel_loop3A_990 = tpu.vector_load_idx %parallel_loop3A_989[%parallel_loop3A_980, %parallel_loop3A_984] : memref<512x32xf32, #tpu.memory_space<vmem>>[vector<16xi32>, vector<16xi32>], vector<16xf32>,
        %parallel_loop3A_991 = arith.constant 16 : i32
        %parallel_loop3A_992 = arith.muli %parallel_loop3A_936, %parallel_loop3A_991 : i32
        %parallel_loop3A_993 = arith.constant 1 : i32
        %parallel_loop3A_994 = arith.index_cast %parallel_loop3A_993 : i32 to index
        %parallel_loop3A_995 = arith.index_cast %parallel_loop3A_960 : i32 to index
        %parallel_loop3A_996 = arith.index_cast %parallel_loop3A_920 : i32 to index
        %parallel_loop3A_997 = arith.index_cast %parallel_loop3A_976 : i32 to index
        %parallel_loop3A_998 = arith.index_cast %parallel_loop3A_992 : i32 to index
        %parallel_loop3A_999 = tpu.vector_load %arg7[%parallel_loop3A_994, %parallel_loop3A_995, %parallel_loop3A_996, %parallel_loop3A_997, %parallel_loop3A_998] {strides = array<i32>} : memref<2x4x4x8x128xf32, #tpu.memory_space<vmem>>, vector<16xf32>,
        tpu.vector_store %arg7[%parallel_loop3A_994, %parallel_loop3A_995, %parallel_loop3A_996, %parallel_loop3A_997, %parallel_loop3A_998], %parallel_loop3A_990 {strides = array<i32>} : memref<2x4x4x8x128xf32, #tpu.memory_space<vmem>>, vector<16xf32>,
      } {sc.loop_unroll_factor = 8 : i64, sc.parallel_access}
      %jit3A_674 = arith.constant 2 : i32
      %div3A_675 = arith.divsi %add3A_633, %jit3A_674 : i32
      %sign3A_676 = arith.constant 0 : i32
      %sign3A_677 = arith.cmpi sgt, %add3A_633, %sign3A_676 : i32
      %sign3A_678 = arith.extui %sign3A_677 : i1 to i32
      %sign3A_679 = arith.constant 0 : i32
      %sign3A_680 = arith.cmpi slt, %add3A_633, %sign3A_679 : i32
      %sign3A_681 = arith.extui %sign3A_680 : i1 to i32
      %sign3A_682 = arith.subi %sign3A_678, %sign3A_681 : i32
      %sign3A_683 = arith.constant 0 : i32
      %sign3A_684 = arith.cmpi sgt, %jit3A_674, %sign3A_683 : i32
      %sign3A_685 = arith.extui %sign3A_684 : i1 to i32
      %sign3A_686 = arith.constant 0 : i32
      %sign3A_687 = arith.cmpi slt, %jit3A_674, %sign3A_686 : i32
      %sign3A_688 = arith.extui %sign3A_687 : i1 to i32
      %sign3A_689 = arith.subi %sign3A_685, %sign3A_688 : i32
      %ne3A_690 = arith.cmpi ne, %sign3A_682, %sign3A_689 : i32
      %rem3A_691 = arith.remsi %add3A_633, %jit3A_674 : i32
      %ne3A_692 = arith.constant 0 : i32
      %ne3A_693 = arith.cmpi ne, %rem3A_691, %ne3A_692 : i32
      %and3A_694 = arith.andi %ne3A_690, %ne3A_693 : i1
      %sub3A_695 = arith.constant 1 : i32
      %sub3A_696 = arith.subi %div3A_675, %sub3A_695 : i32
      %select_n3A_697 = arith.select %and3A_694, %sub3A_696, %div3A_675 : i32
      %add3A_698 = arith.addi %mul3A_2, %select_n3A_697 : i32
      %jit3A_699 = arith.constant 128 : i32
      %div3A_700 = arith.divsi %add3A_698, %jit3A_699 : i32
      %sign3A_701 = arith.constant 0 : i32
      %sign3A_702 = arith.cmpi sgt, %add3A_698, %sign3A_701 : i32
      %sign3A_703 = arith.extui %sign3A_702 : i1 to i32
      %sign3A_704 = arith.constant 0 : i32
      %sign3A_705 = arith.cmpi slt, %add3A_698, %sign3A_704 : i32
      %sign3A_706 = arith.extui %sign3A_705 : i1 to i32
      %sign3A_707 = arith.subi %sign3A_703, %sign3A_706 : i32
      %sign3A_708 = arith.constant 0 : i32
      %sign3A_709 = arith.cmpi sgt, %jit3A_699, %sign3A_708 : i32
      %sign3A_710 = arith.extui %sign3A_709 : i1 to i32
      %sign3A_711 = arith.constant 0 : i32
      %sign3A_712 = arith.cmpi slt, %jit3A_699, %sign3A_711 : i32
      %sign3A_713 = arith.extui %sign3A_712 : i1 to i32
      %sign3A_714 = arith.subi %sign3A_710, %sign3A_713 : i32
      %ne3A_715 = arith.cmpi ne, %sign3A_707, %sign3A_714 : i32
      %rem3A_716 = arith.remsi %add3A_698, %jit3A_699 : i32
      %ne3A_717 = arith.constant 0 : i32
      %ne3A_718 = arith.cmpi ne, %rem3A_716, %ne3A_717 : i32
      %and3A_719 = arith.andi %ne3A_715, %ne3A_718 : i1
      %sub3A_720 = arith.constant 1 : i32
      %sub3A_721 = arith.subi %div3A_700, %sub3A_720 : i32
      %select_n3A_722 = arith.select %and3A_719, %sub3A_721, %div3A_700 : i32
      %jit3A_723 = arith.constant 128 : i32
      %eq3A_724 = arith.constant 0 : i32
      %eq3A_725 = arith.cmpi eq, %jit3A_723, %eq3A_724 : i32
      %jit3A_726 = arith.constant 1 : i32
      %select_n3A_727 = arith.select %eq3A_725, %jit3A_726, %jit3A_723 : i32
      %rem3A_728 = arith.remsi %add3A_698, %select_n3A_727 : i32
      %ne3A_729 = arith.constant 0 : i32
      %ne3A_730 = arith.cmpi ne, %rem3A_728, %ne3A_729 : i32
      %lt3A_731 = arith.constant 0 : i32
      %lt3A_732 = arith.cmpi slt, %rem3A_728, %lt3A_731 : i32
      %lt3A_733 = arith.constant 0 : i32
      %lt3A_734 = arith.cmpi slt, %select_n3A_727, %lt3A_733 : i32
      %ne3A_735 = arith.xori %lt3A_732, %lt3A_734 : i1
      %and3A_736 = arith.andi %ne3A_735, %ne3A_730 : i1
      %add3A_737 = arith.addi %rem3A_728, %select_n3A_727 : i32
      %select_n3A_738 = arith.select %and3A_736, %add3A_737, %rem3A_728 : i32
      %mul3A_739 = arith.constant 8 : i32
      %mul3A_740 = arith.muli %select_n3A_722, %mul3A_739 : i32
      %jit3A_741 = arith.constant 2 : i32
      %eq3A_742 = arith.constant 0 : i32
      %eq3A_743 = arith.cmpi eq, %jit3A_741, %eq3A_742 : i32
      %jit3A_744 = arith.constant 1 : i32
      %select_n3A_745 = arith.select %eq3A_743, %jit3A_744, %jit3A_741 : i32
      %rem3A_746 = arith.remsi %add3A_633, %select_n3A_745 : i32
      %ne3A_747 = arith.constant 0 : i32
      %ne3A_748 = arith.cmpi ne, %rem3A_746, %ne3A_747 : i32
      %lt3A_749 = arith.constant 0 : i32
      %lt3A_750 = arith.cmpi slt, %rem3A_746, %lt3A_749 : i32
      %lt3A_751 = arith.constant 0 : i32
      %lt3A_752 = arith.cmpi slt, %select_n3A_745, %lt3A_751 : i32
      %ne3A_753 = arith.xori %lt3A_750, %lt3A_752 : i1
      %and3A_754 = arith.andi %ne3A_753, %ne3A_748 : i1
      %add3A_755 = arith.addi %rem3A_746, %select_n3A_745 : i32
      %select_n3A_756 = arith.select %and3A_754, %add3A_755, %rem3A_746 : i32
      %mul3A_757 = arith.constant 4 : i32
      %mul3A_758 = arith.muli %select_n3A_756, %mul3A_757 : i32
      %add3A_759 = arith.addi %mul3A_740, %mul3A_758 : i32
      %dma_start3A_760 = arith.constant 1 : i32
      %dma_start3A_761 = arith.constant 0 : i32
      %dma_start3A_762 = arith.constant 0 : i32
      %dma_start3A_763 = arith.constant 1 : i32
      %dma_start3A_764 = arith.constant 0 : i32
      %dma_start3A_765 = arith.constant 0 : i32
      %dma_start3A_766 = arith.constant 0 : i32
      %dma_start3A_767 = tpu.memref_slice %arg7[%dma_start3A_760, %dma_start3A_761, %dma_start3A_764, %dma_start3A_765, %dma_start3A_766] : memref<2x4x4x8x128xf32, #tpu.memory_space<vmem>> -> memref<1x1x4x8x128xf32, #tpu.memory_space<vmem>>
      %dma_start3A_768 = tpu.memref_squeeze %dma_start3A_767 : memref<1x1x4x8x128xf32, #tpu.memory_space<vmem>> -> memref<4x8x128xf32, #tpu.memory_space<vmem>>
      %dma_start3A_769 = arith.constant 0 : i32
      %dma_start3A_770 = arith.constant 0 : i32
      %dma_start3A_771 = tpu.memref_slice %arg4[%add3A_759, %dma_start3A_762, %select_n3A_738, %dma_start3A_769, %dma_start3A_770] : memref<200x4x128x8x128xf32, #tpu.memory_space<hbm>> -> memref<4x1x1x8x128xf32, #tpu.memory_space<hbm>>
      %dma_start3A_772 = tpu.memref_squeeze %dma_start3A_771 : memref<4x1x1x8x128xf32, #tpu.memory_space<hbm>> -> memref<4x8x128xf32, #tpu.memory_space<hbm>>
      %dma_start3A_773 = tpu.memref_slice %arg10[%dma_start3A_763] : memref<2x!tpu.dma_semaphore, #tpu.memory_space<semaphore_mem>> -> memref<1x!tpu.dma_semaphore, #tpu.memory_space<semaphore_mem>>
      %dma_start3A_774 = tpu.memref_squeeze %dma_start3A_773 : memref<1x!tpu.dma_semaphore, #tpu.memory_space<semaphore_mem>> -> memref<!tpu.dma_semaphore, #tpu.memory_space<semaphore_mem>>
      %dma_start3A_775 = arith.constant 0 : i32
      %dma_start3A_776 = arith.constant 0 : i32
      %dma_start3A_777 = tpu.memref_slice %arg4[%add3A_759, %dma_start3A_762, %select_n3A_738, %dma_start3A_775, %dma_start3A_776] : memref<200x4x128x8x128xf32, #tpu.memory_space<hbm>> -> memref<4x1x1x8x128xf32, #tpu.memory_space<hbm>>
      %dma_start3A_778 = tpu.memref_squeeze %dma_start3A_777 : memref<4x1x1x8x128xf32, #tpu.memory_space<hbm>> -> memref<4x8x128xf32, #tpu.memory_space<hbm>>
      %dma_start3A_779 = arith.constant 0 : i32
      %dma_start3A_780 = arith.constant 0 : i32
      %dma_start3A_781 = arith.constant 0 : i32
      %dma_start3A_782 = tpu.memref_slice %arg7[%dma_start3A_760, %dma_start3A_761, %dma_start3A_779, %dma_start3A_780, %dma_start3A_781] : memref<2x4x4x8x128xf32, #tpu.memory_space<vmem>> -> memref<1x1x4x8x128xf32, #tpu.memory_space<vmem>>
      %dma_start3A_783 = tpu.memref_squeeze %dma_start3A_782 : memref<1x1x4x8x128xf32, #tpu.memory_space<vmem>> -> memref<4x8x128xf32, #tpu.memory_space<vmem>>
      tpu.enqueue_dma source(%dma_start3A_783 : memref<4x8x128xf32, #tpu.memory_space<vmem>>) target(%dma_start3A_778 : memref<4x8x128xf32, #tpu.memory_space<hbm>>) target_semaphore(%dma_start3A_774 : memref<!tpu.dma_semaphore, #tpu.memory_space<semaphore_mem>>)
      %dma_start3A_784 = arith.constant 1 : i32
      %dma_start3A_785 = arith.constant 1 : i32
      %dma_start3A_786 = arith.constant 1 : i32
      %dma_start3A_787 = arith.constant 1 : i32
      %dma_start3A_788 = arith.constant 0 : i32
      %dma_start3A_789 = arith.constant 0 : i32
      %dma_start3A_790 = arith.constant 0 : i32
      %dma_start3A_791 = tpu.memref_slice %arg7[%dma_start3A_784, %dma_start3A_785, %dma_start3A_788, %dma_start3A_789, %dma_start3A_790] : memref<2x4x4x8x128xf32, #tpu.memory_space<vmem>> -> memref<1x1x4x8x128xf32, #tpu.memory_space<vmem>>
      %dma_start3A_792 = tpu.memref_squeeze %dma_start3A_791 : memref<1x1x4x8x128xf32, #tpu.memory_space<vmem>> -> memref<4x8x128xf32, #tpu.memory_space<vmem>>
      %dma_start3A_793 = arith.constant 0 : i32
      %dma_start3A_794 = arith.constant 0 : i32
      %dma_start3A_795 = tpu.memref_slice %arg4[%add3A_759, %dma_start3A_786, %select_n3A_738, %dma_start3A_793, %dma_start3A_794] : memref<200x4x128x8x128xf32, #tpu.memory_space<hbm>> -> memref<4x1x1x8x128xf32, #tpu.memory_space<hbm>>
      %dma_start3A_796 = tpu.memref_squeeze %dma_start3A_795 : memref<4x1x1x8x128xf32, #tpu.memory_space<hbm>> -> memref<4x8x128xf32, #tpu.memory_space<hbm>>
      %dma_start3A_797 = tpu.memref_slice %arg10[%dma_start3A_787] : memref<2x!tpu.dma_semaphore, #tpu.memory_space<semaphore_mem>> -> memref<1x!tpu.dma_semaphore, #tpu.memory_space<semaphore_mem>>
      %dma_start3A_798 = tpu.memref_squeeze %dma_start3A_797 : memref<1x!tpu.dma_semaphore, #tpu.memory_space<semaphore_mem>> -> memref<!tpu.dma_semaphore, #tpu.memory_space<semaphore_mem>>
      %dma_start3A_799 = arith.constant 0 : i32
      %dma_start3A_800 = arith.constant 0 : i32
      %dma_start3A_801 = tpu.memref_slice %arg4[%add3A_759, %dma_start3A_786, %select_n3A_738, %dma_start3A_799, %dma_start3A_800] : memref<200x4x128x8x128xf32, #tpu.memory_space<hbm>> -> memref<4x1x1x8x128xf32, #tpu.memory_space<hbm>>
      %dma_start3A_802 = tpu.memref_squeeze %dma_start3A_801 : memref<4x1x1x8x128xf32, #tpu.memory_space<hbm>> -> memref<4x8x128xf32, #tpu.memory_space<hbm>>
      %dma_start3A_803 = arith.constant 0 : i32
      %dma_start3A_804 = arith.constant 0 : i32
      %dma_start3A_805 = arith.constant 0 : i32
      %dma_start3A_806 = tpu.memref_slice %arg7[%dma_start3A_784, %dma_start3A_785, %dma_start3A_803, %dma_start3A_804, %dma_start3A_805] : memref<2x4x4x8x128xf32, #tpu.memory_space<vmem>> -> memref<1x1x4x8x128xf32, #tpu.memory_space<vmem>>
      %dma_start3A_807 = tpu.memref_squeeze %dma_start3A_806 : memref<1x1x4x8x128xf32, #tpu.memory_space<vmem>> -> memref<4x8x128xf32, #tpu.memory_space<vmem>>
      tpu.enqueue_dma source(%dma_start3A_807 : memref<4x8x128xf32, #tpu.memory_space<vmem>>) target(%dma_start3A_802 : memref<4x8x128xf32, #tpu.memory_space<hbm>>) target_semaphore(%dma_start3A_798 : memref<!tpu.dma_semaphore, #tpu.memory_space<semaphore_mem>>)
      %dma_start3A_808 = arith.constant 1 : i32
      %dma_start3A_809 = arith.constant 2 : i32
      %dma_start3A_810 = arith.constant 2 : i32
      %dma_start3A_811 = arith.constant 1 : i32
      %dma_start3A_812 = arith.constant 0 : i32
      %dma_start3A_813 = arith.constant 0 : i32
      %dma_start3A_814 = arith.constant 0 : i32
      %dma_start3A_815 = tpu.memref_slice %arg7[%dma_start3A_808, %dma_start3A_809, %dma_start3A_812, %dma_start3A_813, %dma_start3A_814] : memref<2x4x4x8x128xf32, #tpu.memory_space<vmem>> -> memref<1x1x4x8x128xf32, #tpu.memory_space<vmem>>
      %dma_start3A_816 = tpu.memref_squeeze %dma_start3A_815 : memref<1x1x4x8x128xf32, #tpu.memory_space<vmem>> -> memref<4x8x128xf32, #tpu.memory_space<vmem>>
      %dma_start3A_817 = arith.constant 0 : i32
      %dma_start3A_818 = arith.constant 0 : i32
      %dma_start3A_819 = tpu.memref_slice %arg4[%add3A_759, %dma_start3A_810, %select_n3A_738, %dma_start3A_817, %dma_start3A_818] : memref<200x4x128x8x128xf32, #tpu.memory_space<hbm>> -> memref<4x1x1x8x128xf32, #tpu.memory_space<hbm>>
      %dma_start3A_820 = tpu.memref_squeeze %dma_start3A_819 : memref<4x1x1x8x128xf32, #tpu.memory_space<hbm>> -> memref<4x8x128xf32, #tpu.memory_space<hbm>>
      %dma_start3A_821 = tpu.memref_slice %arg10[%dma_start3A_811] : memref<2x!tpu.dma_semaphore, #tpu.memory_space<semaphore_mem>> -> memref<1x!tpu.dma_semaphore, #tpu.memory_space<semaphore_mem>>
      %dma_start3A_822 = tpu.memref_squeeze %dma_start3A_821 : memref<1x!tpu.dma_semaphore, #tpu.memory_space<semaphore_mem>> -> memref<!tpu.dma_semaphore, #tpu.memory_space<semaphore_mem>>
      %dma_start3A_823 = arith.constant 0 : i32
      %dma_start3A_824 = arith.constant 0 : i32
      %dma_start3A_825 = tpu.memref_slice %arg4[%add3A_759, %dma_start3A_810, %select_n3A_738, %dma_start3A_823, %dma_start3A_824] : memref<200x4x128x8x128xf32, #tpu.memory_space<hbm>> -> memref<4x1x1x8x128xf32, #tpu.memory_space<hbm>>
      %dma_start3A_826 = tpu.memref_squeeze %dma_start3A_825 : memref<4x1x1x8x128xf32, #tpu.memory_space<hbm>> -> memref<4x8x128xf32, #tpu.memory_space<hbm>>
      %dma_start3A_827 = arith.constant 0 : i32
      %dma_start3A_828 = arith.constant 0 : i32
      %dma_start3A_829 = arith.constant 0 : i32
      %dma_start3A_830 = tpu.memref_slice %arg7[%dma_start3A_808, %dma_start3A_809, %dma_start3A_827, %dma_start3A_828, %dma_start3A_829] : memref<2x4x4x8x128xf32, #tpu.memory_space<vmem>> -> memref<1x1x4x8x128xf32, #tpu.memory_space<vmem>>
      %dma_start3A_831 = tpu.memref_squeeze %dma_start3A_830 : memref<1x1x4x8x128xf32, #tpu.memory_space<vmem>> -> memref<4x8x128xf32, #tpu.memory_space<vmem>>
      tpu.enqueue_dma source(%dma_start3A_831 : memref<4x8x128xf32, #tpu.memory_space<vmem>>) target(%dma_start3A_826 : memref<4x8x128xf32, #tpu.memory_space<hbm>>) target_semaphore(%dma_start3A_822 : memref<!tpu.dma_semaphore, #tpu.memory_space<semaphore_mem>>)
      %dma_start3A_832 = arith.constant 1 : i32
      %dma_start3A_833 = arith.constant 3 : i32
      %dma_start3A_834 = arith.constant 3 : i32
      %dma_start3A_835 = arith.constant 1 : i32
      %dma_start3A_836 = arith.constant 0 : i32
      %dma_start3A_837 = arith.constant 0 : i32
      %dma_start3A_838 = arith.constant 0 : i32
      %dma_start3A_839 = tpu.memref_slice %arg7[%dma_start3A_832, %dma_start3A_833, %dma_start3A_836, %dma_start3A_837, %dma_start3A_838] : memref<2x4x4x8x128xf32, #tpu.memory_space<vmem>> -> memref<1x1x4x8x128xf32, #tpu.memory_space<vmem>>
      %dma_start3A_840 = tpu.memref_squeeze %dma_start3A_839 : memref<1x1x4x8x128xf32, #tpu.memory_space<vmem>> -> memref<4x8x128xf32, #tpu.memory_space<vmem>>
      %dma_start3A_841 = arith.constant 0 : i32
      %dma_start3A_842 = arith.constant 0 : i32
      %dma_start3A_843 = tpu.memref_slice %arg4[%add3A_759, %dma_start3A_834, %select_n3A_738, %dma_start3A_841, %dma_start3A_842] : memref<200x4x128x8x128xf32, #tpu.memory_space<hbm>> -> memref<4x1x1x8x128xf32, #tpu.memory_space<hbm>>
      %dma_start3A_844 = tpu.memref_squeeze %dma_start3A_843 : memref<4x1x1x8x128xf32, #tpu.memory_space<hbm>> -> memref<4x8x128xf32, #tpu.memory_space<hbm>>
      %dma_start3A_845 = tpu.memref_slice %arg10[%dma_start3A_835] : memref<2x!tpu.dma_semaphore, #tpu.memory_space<semaphore_mem>> -> memref<1x!tpu.dma_semaphore, #tpu.memory_space<semaphore_mem>>
      %dma_start3A_846 = tpu.memref_squeeze %dma_start3A_845 : memref<1x!tpu.dma_semaphore, #tpu.memory_space<semaphore_mem>> -> memref<!tpu.dma_semaphore, #tpu.memory_space<semaphore_mem>>
      %dma_start3A_847 = arith.constant 0 : i32
      %dma_start3A_848 = arith.constant 0 : i32
      %dma_start3A_849 = tpu.memref_slice %arg4[%add3A_759, %dma_start3A_834, %select_n3A_738, %dma_start3A_847, %dma_start3A_848] : memref<200x4x128x8x128xf32, #tpu.memory_space<hbm>> -> memref<4x1x1x8x128xf32, #tpu.memory_space<hbm>>
      %dma_start3A_850 = tpu.memref_squeeze %dma_start3A_849 : memref<4x1x1x8x128xf32, #tpu.memory_space<hbm>> -> memref<4x8x128xf32, #tpu.memory_space<hbm>>
      %dma_start3A_851 = arith.constant 0 : i32
      %dma_start3A_852 = arith.constant 0 : i32
      %dma_start3A_853 = arith.constant 0 : i32
      %dma_start3A_854 = tpu.memref_slice %arg7[%dma_start3A_832, %dma_start3A_833, %dma_start3A_851, %dma_start3A_852, %dma_start3A_853] : memref<2x4x4x8x128xf32, #tpu.memory_space<vmem>> -> memref<1x1x4x8x128xf32, #tpu.memory_space<vmem>>
      %dma_start3A_855 = tpu.memref_squeeze %dma_start3A_854 : memref<1x1x4x8x128xf32, #tpu.memory_space<vmem>> -> memref<4x8x128xf32, #tpu.memory_space<vmem>>
      tpu.enqueue_dma source(%dma_start3A_855 : memref<4x8x128xf32, #tpu.memory_space<vmem>>) target(%dma_start3A_850 : memref<4x8x128xf32, #tpu.memory_space<hbm>>) target_semaphore(%dma_start3A_846 : memref<!tpu.dma_semaphore, #tpu.memory_space<semaphore_mem>>)
    }
    %scan3A_172 = arith.constant 100 : i32
    %dma_wait3A = arith.constant 0 : i32
    %dma_wait3A_173 = arith.constant 0 : i32
    %dma_wait3A_174 = arith.constant 0 : i32
    %dma_wait3A_175 = arith.constant 0 : i32
    %dma_wait3A_176 = arith.constant 0 : i32
    %dma_wait3A_177 = arith.constant 0 : i32
    %dma_wait3A_178 = arith.constant 0 : i32
    %dma_wait3A_179 = tpu.memref_slice %arg7[%dma_wait3A_173, %dma_wait3A_175, %dma_wait3A_176, %dma_wait3A_177, %dma_wait3A_178] : memref<2x4x4x8x128xf32, #tpu.memory_space<vmem>> -> memref<1x4x4x8x128xf32, #tpu.memory_space<vmem>>
    %dma_wait3A_180 = tpu.memref_squeeze %dma_wait3A_179 : memref<1x4x4x8x128xf32, #tpu.memory_space<vmem>> -> memref<4x4x8x128xf32, #tpu.memory_space<vmem>>
    %dma_wait3A_181 = arith.constant 0 : i32
    %dma_wait3A_182 = arith.constant 0 : i32
    %dma_wait3A_183 = arith.constant 0 : i32
    %dma_wait3A_184 = arith.constant 0 : i32
    %dma_wait3A_185 = tpu.memref_slice %arg4[%dma_wait3A_181, %dma_wait3A_182, %dma_wait3A, %dma_wait3A_183, %dma_wait3A_184] : memref<200x4x128x8x128xf32, #tpu.memory_space<hbm>> -> memref<4x4x1x8x128xf32, #tpu.memory_space<hbm>>
    %dma_wait3A_186 = tpu.memref_squeeze %dma_wait3A_185 : memref<4x4x1x8x128xf32, #tpu.memory_space<hbm>> -> memref<4x4x8x128xf32, #tpu.memory_space<hbm>>
    %dma_wait3A_187 = tpu.memref_slice %arg10[%dma_wait3A_174] : memref<2x!tpu.dma_semaphore, #tpu.memory_space<semaphore_mem>> -> memref<1x!tpu.dma_semaphore, #tpu.memory_space<semaphore_mem>>
    %dma_wait3A_188 = tpu.memref_squeeze %dma_wait3A_187 : memref<1x!tpu.dma_semaphore, #tpu.memory_space<semaphore_mem>> -> memref<!tpu.dma_semaphore, #tpu.memory_space<semaphore_mem>>
    %dma_wait3A_189 = arith.constant 0 : i32
    %dma_wait3A_190 = arith.constant 0 : i32
    %dma_wait3A_191 = arith.constant 0 : i32
    %dma_wait3A_192 = arith.constant 0 : i32
    %dma_wait3A_193 = tpu.memref_slice %arg7[%dma_wait3A_173, %dma_wait3A_189, %dma_wait3A_190, %dma_wait3A_191, %dma_wait3A_192] : memref<2x4x4x8x128xf32, #tpu.memory_space<vmem>> -> memref<1x4x4x8x128xf32, #tpu.memory_space<vmem>>
    %dma_wait3A_194 = tpu.memref_squeeze %dma_wait3A_193 : memref<1x4x4x8x128xf32, #tpu.memory_space<vmem>> -> memref<4x4x8x128xf32, #tpu.memory_space<vmem>>
    %dma_wait3A_195 = arith.constant 0 : i32
    %dma_wait3A_196 = arith.constant 0 : i32
    %dma_wait3A_197 = arith.constant 0 : i32
    %dma_wait3A_198 = arith.constant 0 : i32
    %dma_wait3A_199 = tpu.memref_slice %arg4[%dma_wait3A_195, %dma_wait3A_196, %dma_wait3A, %dma_wait3A_197, %dma_wait3A_198] : memref<200x4x128x8x128xf32, #tpu.memory_space<hbm>> -> memref<4x4x1x8x128xf32, #tpu.memory_space<hbm>>
    %dma_wait3A_200 = tpu.memref_squeeze %dma_wait3A_199 : memref<4x4x1x8x128xf32, #tpu.memory_space<hbm>> -> memref<4x4x8x128xf32, #tpu.memory_space<hbm>>
    tpu.wait_dma2 semaphore(%dma_wait3A_188 : memref<!tpu.dma_semaphore, #tpu.memory_space<semaphore_mem>>) src(%dma_wait3A_200 : memref<4x4x8x128xf32, #tpu.memory_space<hbm>>) dst(%dma_wait3A_194 : memref<4x4x8x128xf32, #tpu.memory_space<vmem>>)
    %dma_wait3A_201 = arith.constant 0 : i32
    %dma_wait3A_202 = arith.constant 1 : i32
    %dma_wait3A_203 = arith.constant 1 : i32
    %dma_wait3A_204 = arith.constant 0 : i32
    %dma_wait3A_205 = arith.constant 0 : i32
    %dma_wait3A_206 = arith.constant 0 : i32
    %dma_wait3A_207 = arith.constant 0 : i32
    %dma_wait3A_208 = tpu.memref_slice %arg7[%dma_wait3A_202, %dma_wait3A_204, %dma_wait3A_205, %dma_wait3A_206, %dma_wait3A_207] : memref<2x4x4x8x128xf32, #tpu.memory_space<vmem>> -> memref<1x4x4x8x128xf32, #tpu.memory_space<vmem>>
    %dma_wait3A_209 = tpu.memref_squeeze %dma_wait3A_208 : memref<1x4x4x8x128xf32, #tpu.memory_space<vmem>> -> memref<4x4x8x128xf32, #tpu.memory_space<vmem>>
    %dma_wait3A_210 = arith.constant 0 : i32
    %dma_wait3A_211 = arith.constant 0 : i32
    %dma_wait3A_212 = arith.constant 0 : i32
    %dma_wait3A_213 = arith.constant 0 : i32
    %dma_wait3A_214 = tpu.memref_slice %arg4[%dma_wait3A_210, %dma_wait3A_211, %dma_wait3A_201, %dma_wait3A_212, %dma_wait3A_213] : memref<200x4x128x8x128xf32, #tpu.memory_space<hbm>> -> memref<4x4x1x8x128xf32, #tpu.memory_space<hbm>>
    %dma_wait3A_215 = tpu.memref_squeeze %dma_wait3A_214 : memref<4x4x1x8x128xf32, #tpu.memory_space<hbm>> -> memref<4x4x8x128xf32, #tpu.memory_space<hbm>>
    %dma_wait3A_216 = tpu.memref_slice %arg10[%dma_wait3A_203] : memref<2x!tpu.dma_semaphore, #tpu.memory_space<semaphore_mem>> -> memref<1x!tpu.dma_semaphore, #tpu.memory_space<semaphore_mem>>
    %dma_wait3A_217 = tpu.memref_squeeze %dma_wait3A_216 : memref<1x!tpu.dma_semaphore, #tpu.memory_space<semaphore_mem>> -> memref<!tpu.dma_semaphore, #tpu.memory_space<semaphore_mem>>
    %dma_wait3A_218 = arith.constant 0 : i32
    %dma_wait3A_219 = arith.constant 0 : i32
    %dma_wait3A_220 = arith.constant 0 : i32
    %dma_wait3A_221 = arith.constant 0 : i32
    %dma_wait3A_222 = tpu.memref_slice %arg7[%dma_wait3A_202, %dma_wait3A_218, %dma_wait3A_219, %dma_wait3A_220, %dma_wait3A_221] : memref<2x4x4x8x128xf32, #tpu.memory_space<vmem>> -> memref<1x4x4x8x128xf32, #tpu.memory_space<vmem>>
    %dma_wait3A_223 = tpu.memref_squeeze %dma_wait3A_222 : memref<1x4x4x8x128xf32, #tpu.memory_space<vmem>> -> memref<4x4x8x128xf32, #tpu.memory_space<vmem>>
    %dma_wait3A_224 = arith.constant 0 : i32
    %dma_wait3A_225 = arith.constant 0 : i32
    %dma_wait3A_226 = arith.constant 0 : i32
    %dma_wait3A_227 = arith.constant 0 : i32
    %dma_wait3A_228 = tpu.memref_slice %arg4[%dma_wait3A_224, %dma_wait3A_225, %dma_wait3A_201, %dma_wait3A_226, %dma_wait3A_227] : memref<200x4x128x8x128xf32, #tpu.memory_space<hbm>> -> memref<4x4x1x8x128xf32, #tpu.memory_space<hbm>>
    %dma_wait3A_229 = tpu.memref_squeeze %dma_wait3A_228 : memref<4x4x1x8x128xf32, #tpu.memory_space<hbm>> -> memref<4x4x8x128xf32, #tpu.memory_space<hbm>>
    tpu.wait_dma2 semaphore(%dma_wait3A_217 : memref<!tpu.dma_semaphore, #tpu.memory_space<semaphore_mem>>) src(%dma_wait3A_229 : memref<4x4x8x128xf32, #tpu.memory_space<hbm>>) dst(%dma_wait3A_223 : memref<4x4x8x128xf32, #tpu.memory_space<vmem>>)
    return
  }
}

</mosaic_0001>

<sc_bundles>
// kernel: _gather5.3.cloned.1.call-start
scs
__scs_entry_jumppad:
0x0: {  	(pc) =	sbr.rel $0x88, $3  }
0x1: {  	(tag) =	ssettag $0x0;
	lr =	simm.s32 $0x1  }
0x2: {  	[smem:$0x3F9F] =	sst lr;
	_ =	strace $0xD0000000  }
0x3: {  	_ = 	snop  }
0x4: {  	_ = 	snop  }
0x5: {  	_ = 	snop  }
0x6: {  	_ = 	snop  }
0x7: {  	_ = 	snop  }
__scs_overlays_trampoline_lowered:
0x8: {  	[smem:$0x3FAE] =	sst s0  }
0x9: {  	[smem:$0x3FAF] =	sst s1  }
0xa: {  	[smem:$0x3FB0] =	sst s2  }
0xb: {  	[smem:$0x3FB1] =	sst s3  }
0xc: {  	[smem:$0x3FB2] =	sst s4  }
0xd: {  	[smem:$0x3FB3] =	sst s5  }
0xe: {  	[smem:$0x3FB4] =	sst s6  }
0xf: {  	[smem:$0x3FB5] =	sst s7  }
0x10: {  	[smem:$0x3FB6] =	sst s8  }
0x11: {  	[smem:$0x3FB7] =	sst s9;
	s0 =	simm.s32 @!p0 $0x0  }
0x12: {  	s1 =	sld [smem:$0x3F9D];
	s0 =	simm.s32 @p0 $0x1  }
0x13: {  	[smem:$0x3FB8] =	sst s0;
	s0 =	simm.s32 @!p1 $0x0  }
0x14: {  	s2 =	sld [smem:$0x3F9C];
	s0 =	simm.s32 @p1 $0x1  }
0x15: {  	[smem:$0x3FB9] =	sst s0;
	s0 =	simm.s32 @!p2 $0x0  }
0x16: {  	s3 =	sld [smem:$0x3FDB];
	s0 =	simm.s32 @p2 $0x1  }
0x17: {  	s4 =	simm.s32 $0x1BF5;
	[smem:$0x3FBB] =	sst s0  }
0x18: {  	s0 =	sld [smem:$0x3F9E];
	_ =	swait.ge [sflag:s4], $0x0  }
0x19: {  	s7 =	sld [smem:$0x3F9F]  }
0x1a: {  	s8 =	sadd.s32 $0xFFFFE003, lr  }
0x1b: {  	s9 =	sadd.s32 $0xFFFFFEF7, lr;
	s5 =	simm.s32 $0xFFFFFFFF;
	p2 =	slt.u32 s8, $0xFFFFF086  }
0x1c: {  	p1 =	slt.u32 s9, $0xF7A;
	s5 =	simm.s32 @!p2 $0x0  }
0x1d: {  	s5 =	simm.s32 @p1 $0x1;
	p0 =	seq.s32 s7, s2  }
0x1e: {  	s7 =	smul.u32 @!p0 $0xF7A, s2;
	p2 =	seq.s32 @!p0 s5, $0x0  }
0x1f: {  	s9 =	smul.u32 $0xF7A, s1;
	s8 =	simm.s32 @!p0 $0x1BF5;
	p2 =	por !p2, p0  }
0x20: {  	[sflag:s8] =	ssyncset.s32 @!p0 $0xFFFFF086;
	s6 =	sadd.s32 @!p0 s3, s7;
	s7 =	simm.s32 @!p0 $0x108  }
0x21: {  	s3 =	sadd.s32 s3, s9;
	s6 =	sadd.s32 @!p0 $0x88, s6;
	s7 =	simm.s32 @p2 $0x1082  }
0x22: {  	[simem:s7], [sflag:s8] =	dma.local @!p0 [hbm:s6], $0xF7A  }
0x23: {  	s9 =	sor.u32 $0xD0000000, s2;
	s6 =	simm.s32 $0x108;
	_ =	swait.ge @!p0 [sflag:s8], $0x0  }
0x24: {  	s3 =	sadd.s32 $0x88, s3;
	s6 =	simm.s32 @!p1 $0x1082;
	[sflag:s4] =	ssyncset.s32 $0xFFFFF086  }
0x25: {  	[simem:s6], [sflag:s4] =	dma.local [hbm:s3], $0xF7A  }
0x26: {  	[smem:$0x3F9F] =	sst s1;
	(tag) =	ssettag s2;
	_ =	strace s9  }
0x27: {  	s1 =	sld [smem:$0x3FAF]  }
0x28: {  	s2 =	sld [smem:$0x3FB0]  }
0x29: {  	s4 =	sld [smem:$0x3FB2]  }
0x2a: {  	p0 =	seq.s32 s5, $0x0;
	s5 =	sld [smem:$0x3FB3]  }
0x2b: {  	s6 =	sld [smem:$0x3FB4]  }
0x2c: {  	s7 =	sld [smem:$0x3FB5]  }
0x2d: {  	s3 =	simm.s32 $0x108;
	s8 =	sld [smem:$0x3FB6]  }
0x2e: {  	s3 =	simm.s32 @!p0 $0x1082;
	s9 =	sld [smem:$0x3FB7]  }
0x2f: {  	lr =	sadd.s32 s0, s3;
	s0 =	sld [smem:$0x3FAE]  }
0x30: {  	s3 =	sld [smem:$0x3FB1]  }
0x31: {  	[smem:$0x3FBA] =	sst s10  }
0x32: {  	s10 =	sld [smem:$0x3FB8];
	_ =	sdelay $0x3  }
0x33: {  	p0 =	seq.s32 s10, $0x1;
	s10 =	sld [smem:$0x3FBA];
	_ =	sdelay $0x3  }
0x34: {  	[smem:$0x3FBA] =	sst s10  }
0x35: {  	s10 =	sld [smem:$0x3FB9];
	_ =	sdelay $0x3  }
0x36: {  	p1 =	seq.s32 s10, $0x1;
	s10 =	sld [smem:$0x3FBA];
	_ =	sdelay $0x3  }
0x37: {  	[smem:$0x3FBA] =	sst s10  }
0x38: {  	s10 =	sld [smem:$0x3FBB]  }
0x39: {  	_ = 	snop;
	(pc) =	sbr.ind lr, $3  }
0x3a: {  	_ = 	snop  }
0x3b: {  	_ = 	snop  }
0x3c: {  	p2 =	seq.s32 s10, $0x1;
	s10 =	sld [smem:$0x3FBA]  }
0x3d: {  	_ =	shalt  }
0x3e: {  	_ =	shalt  }
0x3f: {  	_ =	shalt  }
0x40: {  	_ =	shalt  }
0x41: {  	_ =	shalt  }
0x42: {  	_ =	shalt  }
0x43: {  	_ =	shalt  }
0x44: {  	_ =	shalt  }
0x45: {  	_ =	shalt  }
0x46: {  	_ =	shalt  }
0x47: {  	_ =	shalt  }
0x48: {  	_ =	shalt  }
0x49: {  	_ =	shalt  }
0x4a: {  	_ =	shalt  }
0x4b: {  	_ =	shalt  }
0x4c: {  	_ =	shalt  }
0x4d: {  	_ =	shalt  }
0x4e: {  	_ =	shalt  }
0x4f: {  	_ =	shalt  }
0x50: {  	_ =	shalt  }
0x51: {  	_ =	shalt  }
0x52: {  	_ =	shalt  }
0x53: {  	_ =	shalt  }
0x54: {  	_ =	shalt  }
0x55: {  	_ =	shalt  }
0x56: {  	_ =	shalt  }
0x57: {  	_ =	shalt  }
0x58: {  	_ =	shalt  }
0x59: {  	_ =	shalt  }
0x5a: {  	_ =	shalt  }
0x5b: {  	_ =	shalt  }
0x5c: {  	_ =	shalt  }
0x5d: {  	_ =	shalt  }
0x5e: {  	_ =	shalt  }
0x5f: {  	_ =	shalt  }
0x60: {  	_ =	shalt  }
0x61: {  	_ =	shalt  }
0x62: {  	_ =	shalt  }
0x63: {  	_ =	shalt  }
0x64: {  	_ =	shalt  }
0x65: {  	_ =	shalt  }
0x66: {  	_ =	shalt  }
0x67: {  	_ =	shalt  }
0x68: {  	_ =	shalt  }
0x69: {  	_ =	shalt  }
0x6a: {  	_ =	shalt  }
0x6b: {  	_ =	shalt  }
0x6c: {  	_ =	shalt  }
0x6d: {  	_ =	shalt  }
0x6e: {  	_ =	shalt  }
0x6f: {  	_ =	shalt  }
0x70: {  	_ =	shalt  }
0x71: {  	_ =	shalt  }
0x72: {  	_ =	shalt  }
0x73: {  	_ =	shalt  }
0x74: {  	_ =	shalt  }
0x75: {  	_ =	shalt  }
0x76: {  	_ =	shalt  }
0x77: {  	_ =	shalt  }
0x78: {  	_ =	shalt  }
0x79: {  	_ =	shalt  }
0x7a: {  	_ =	shalt  }
0x7b: {  	_ =	shalt  }
0x7c: {  	_ =	shalt  }
0x7d: {  	_ =	shalt  }
0x7e: {  	_ =	shalt  }
0x7f: {  	_ =	shalt  }
0x80: {  	_ =	shalt  }
0x81: {  	_ =	shalt  }
0x82: {  	_ =	shalt  }
0x83: {  	_ =	shalt  }
0x84: {  	_ =	shalt  }
0x85: {  	_ =	shalt  }
0x86: {  	_ =	shalt  }
0x87: {  	_ =	shalt  }
.Lfunc_end0:
.L_simem_size_0:
called_computation_lowered:
.L_overlay_start_0:
0x88: {  	s2 =	sld [smem:$0x3FD9]  }
0x89: {  	s3 =	sld [smem:$0x3FFE];
	_ =	sdelay $0x1  }
0x8a: {  	s1 =	srdreg.scid  }
0x8b: {  	s0 =	sand.u32 $0x1, s1  }
0x8c: {  	s17 =	sshll.u32 s0, $0xA;
	s2 =	sadd.s32 s3, s2  }
0x8d: {  	s2 =	sadd.s32 s2, s17  }
0x8e: {  	[smem:$0x3FC6] =	sst s2  }
0x8f: {  	_ = 	snop  }
0x90: {  	s2 =	sld [smem:$0x3FC9]  }
0x91: {  	s18 =	sld [smem:$0x3FD0];
	(tm) =	ssettm $0x1  }
0x92: {  	s4 =	sld [smem:$0x3FFB];
	_ =	sdelay $0x3  }
0x93: {  	_ =	strace s4  }
0x94: {  	s4 =	sld [smem:$0x3FFC];
	_ =	sdelay $0x3  }
0x95: {  	_ =	strace s4  }
0x96: {  	s4 =	sld [smem:$0x3FFD];
	_ =	sdelay $0x3  }
0x97: {  	_ =	strace s4  }
0x98: {  	_ =	strace $0x8FFFFFFF  }
0x99: {  	s19 =	sld [smem:$0x3FDB];
	_ =	sdelay $0x1  }
0x9a: {  	s5 =	simm.s32 $_scs_section_size  }
0x9b: {  	s6 =	simm.s32 $_size__tile_overlayer_lowered;
	s7 =	simm.s32 $_tile_overlayer_lowered  }
0x9c: {  	s22 =	simm.s32 $0x1BFF;
	s21 =	sshll.u32 s7, $0x1;
	s4 =	sadd.s32 s5, s19  }
0x9d: {  	s8 =	simm.s32 $0x0;
	s20 =	sshll.u32 s6, $0x1;
	s6 =	sadd.s32 s21, s4  }
0x9e: {  	[timem:s8], [sflag:s22] =	dma.local [hbm:s6], s20  }
0x9f: {  	_ =	swait.ge [sflag:s22], s20  }
0xa0: {  	s5 =	ssub.s32 $0x0, s20;
	[sflag:s22] =	ssyncset.done $0x0  }
0xa1: {  	[sflag:s22] =	ssyncadd.s32 s5;
	_ =	sdelay $0x1  }
0xa2: {  	s23 =	simm.s32 $0x1B8B  }
0xa3: {  	_ =	swait.ge [sflag:s23], $0x1  }
0xa4: {  	[sflag:s23] =	ssyncset.done $0x0  }
0xa5: {  	s25 =	simm.s32 $0x1B8E;
	s24 =	sld [smem:$0x3FFE];
	[sflag:s23] =	ssyncadd.s32 $0xFFFFFFFF  }
0xa6: {  	s26 =	simm.s32 $execute0_lowered;
	[smem:$0x3FD2] =	sst s25  }
0xa7: {  	s6 =	sshll.u32 s26, $0x1;
	_ =	strace $0x80000046;
	[dreg:$0x1] =	wrdreg $0xFFFFFFFF  }
0xa8: {  	s28 =	simm.s32 $_size_execute0_lowered;
	s4 =	sadd.s32 s4, s6;
	[dreg:$0x0] =	wrdreg $0x0  }
0xa9: {  	s6 =	sshll.u32 s28, $0x1;
	[dreg:$0x2] =	wrdreg s4  }
0xaa: {  	[dreg:$0x3] =	wrdreg s6  }
0xab: {  	[dreg:$0x4] =	wrdreg $0xC0  }
0xac: {  	_ =	task [dreg:s8], $0x5FFFF  }
0xad: {  	[dreg:$0x1] =	wrdreg $0xFFFFFFFF  }
0xae: {  	[dreg:$0x0] =	wrdreg $0x60  }
0xaf: {  	[dreg:$0x2] =	wrdreg s2  }
0xb0: {  	[dreg:$0x3] =	wrdreg s24  }
0xb1: {  	[dreg:$0x4] =	wrdreg s18  }
0xb2: {  	[dreg:$0x5] =	wrdreg $0x9  }
0xb3: {  	_ =	task.clear_ibuf [dreg:s8], $0x6FFFF;
	_ =	strace $0x90000046  }
0xb4: {  	s29 =	simm.s32 $0x9;
	_ =	strace $0x80000048  }
0xb5: {  	_ =	swait.ge [sflag:s29], $0x1  }
0xb6: {  	[sflag:s29] =	ssyncadd.s32 $0xFFFFFFFF  }
0xb7: {  	_ =	strace $0x90000048  }
0xb8: {  	_ =	sfence  }
0xb9: {  	s30 =	sld [smem:$0x0];
	_ =	sdelay $0x2  }
0xba: {  	s31 =	sshll.u32 s1, $0xD;
	s1 =	sshrl.u32 s1, $0x2  }
0xbb: {  	s3 =	sand.u32 $0x4000, s31;
	s1 =	sadd.s32 s1, s30  }
0xbc: {  	s0 =	sor.u32 s3, s0;
	s1 =	sshll.u32 s1, $0x11  }
0xbd: {  	s0 =	sor.u32 s1, s0  }
0xbe: {  	s0 =	sadd.s32 $0x8F2B, s0  }
0xbf: {  	[sflag:s0] =	ssyncadd.remote.s32 $0x1  }
0xc0: {  	_ =	sfence.sel $0xFFFF  }
0xc1: {  	[dreg:$0x0] =	wrdreg $0xFFFFFFFF;
	(pc) =	sbr.abs _section_cstart, $3  }
0xc2: {  	[dreg:$0x1] =	wrdreg $0xFFFFFFFF  }
0xc3: {  	_ =	task.clear_ibuf [dreg:s8], $0x2FFFF;
	_ =	strace $0x9FFFFFFF  }
0xc4: {  	(tm) =	ssettm $0x7FFFFFFF  }
0xc5: {  	_ =	shalt  }
tec
execute0_lowered:
.L_overlay_start_1:
0x0: {  	(tag) =	ssettag $0x1  }
0x1: {  	s4 =	rddreg [dreg:$0x0]  }
0x2: {  	s0 =	rddreg [dreg:$0x1]  }
0x3: {  	s7 =	rddreg [dreg:$0x2]  }
0x4: {  	s1 =	srdreg.scid;
	s2 =	stileid.u32;
	s3 =	simm.s32 $0x0  }
0x5: {  	s20 =	simm.s32 $0x80;
	s21 =	simm.s32 $0x400;
	s29 =	simm.s32 $0x3  }
0x6: {  	s30 =	simm.s32 $0x2;
	s31 =	simm.s32 $0x4400;
	s22 =	simm.s32 $0x80000  }
0x7: {  	s1 =	sand.u32 $0x1, s1;
	s2 =	sshll.u32 s2, $0x1;
	[smem:$0x7FF] =	sst s3  }
0x8: {  	s5 =	sadd.s32 $0xF42800, s0;
	s28 =	sadd.s32 $0x40, s4;
	s11 =	sadd.s32 $0x4000, s7  }
0x9: {  	s12 =	sadd.s32 $0x8000, s7;
	s13 =	sadd.s32 $0xC000, s7;
	s14 =	sadd.s32 $0x40000, s7  }
0xa: {  	s15 =	sadd.s32 $0x44000, s7;
	s16 =	sadd.s32 $0x48000, s7;
	s2 =	sor.u32 s1, s2  }
0xb: {  	s17 =	sadd.s32 $0x4C000, s7;
	s7 =	simm.s32 $0x1;
	s24 =	smul.u32 $0x3200, s2  }
0xc: {  	_ =	strace $0x80000047;
	s1 =	ssub.s32 $0x2, s1;
	[dreg:$0x5] =	wrdreg s28  }
0xd: {  	s25 =	sshrl.u32 s1, $0x1;
	s6 =	smul.u32 $0x64, s2;
	s26 =	sadd.s32 s4, s24  }
0xe: {  	s0 =	ssub.s32 s1, s25;
	s1 =	sadd.s32 s24, s28;
	[dreg:$0x4] =	wrdreg s26  }
0xf: {  	v0 =	vlaneseq.u32;
	v1 =	vimm.s32 $0x0;
	vm0 =	vcmask $0x300;
	s3 =	simm.s32 $0x0;
	s0 =	smax.u32 s0, $0x1;
	[dreg:$0x6] =	wrdreg s1  }
0x10: {  	v0 =	vmul.u32 $0x20, v0;
	v1 =	vsel vm0, $0x3, v1;
	s10 =	sor.u32 $0x1, s6;
	[dreg:$0x7] =	wrdreg s0;
	s1 =	simm.s32 $0x4  }
.LBB2_1:
0x11: {  	[dreg:$0x8] =	wrdreg s3  }
0x12: {  	s0 =	simm.s32 $0x0;
	s2 =	rddreg [dreg:$0x4];
	s9 =	simm.s32 $0x7  }
0x13: {  	[tilespmem:s0], [sflag:$0x7] =	stream.linear.gather [hbm4b:s2+s0], $0x200, $0x38;
	[tilespmem:$0x10400] =	vst v63  }
0x14: {  	_ =	swait.ge [sflag:s9], $0x200  }
0x15: {  	[sflag:s9] =	ssyncset.done $0x0  }
0x16: {  	[sflag:s9] =	ssyncadd.s32 $0xFFFFFE00  }
0x17: {  	[tilespmem:s21], [sflag:$0x3] =	stream.indirect.gather [hbm4b:s5+s20], $0x20, s0, s20, $0xb8;
	[tilespmem:$0x10400] =	vst v63  }
0x18: {  	s18 =	simm.s32 $0x1400  }
0x19: {  	[tilespmem:s18], [sflag:$0x3] =	stream.indirect.gather [hbm4b:s5+s20], $0x20, s20, s20, $0xb8;
	[tilespmem:$0x10400] =	vst v63  }
0x1a: {  	s19 =	simm.s32 $0x100;
	s23 =	simm.s32 $0x2400  }
0x1b: {  	[tilespmem:s23], [sflag:$0x3] =	stream.indirect.gather [hbm4b:s5+s20], $0x20, s19, s20, $0xb8;
	[tilespmem:$0x10400] =	vst v63  }
0x1c: {  	s24 =	simm.s32 $0x180;
	s25 =	simm.s32 $0x3400  }
0x1d: {  	[tilespmem:s25], [sflag:$0x3] =	stream.indirect.gather [hbm4b:s5+s20], $0x20, s24, s20, $0xb8;
	[tilespmem:$0x10400] =	vst v63  }
0x1e: {  	s28 =	simm.s32 $0x200;
	s26 =	rddreg [dreg:$0x6];
	s9 =	simm.s32 $0x0  }
0x1f: {  	[tilespmem:s28], [sflag:$0x2] =	stream.linear.gather [hbm4b:s26+s0], $0x200, $0x38;
	[tilespmem:$0x10400] =	vst v63  }
.LBB2_2:
0x20: {  	_ =	swait.ge [sflag:s29], $0x4000  }
0x21: {  	p0 =	seq.s32 s9, $0x0;
	[sflag:s29] =	ssyncset.done $0x0  }
0x22: {  	s0 =	simm.s32 @!p0 $0x5;
	[sflag:s29] =	ssyncadd.s32 $0xFFFFC000  }
0x23: {  	_ =	swait.ge @!p0 [sflag:s0], $0x4000  }
0x24: {  	[sflag:s0] =	ssyncset.done @!p0 $0x0  }
0x25: {  	[sflag:s0] =	ssyncadd.s32 @!p0 $0xFFFFC000  }
0x26: {  	_ =	swait.ge [sflag:s30], $0x200  }
0x27: {  	[sflag:s30] =	ssyncset.done $0x0  }
0x28: {  	s3 =	simm.s32 $0x200;
	s4 =	simm.s32 $0x0;
	[sflag:s30] =	ssyncadd.s32 $0xFFFFFE00  }
0x29: {  	[tilespmem:s31], [sflag:$0x4] =	stream.indirect.gather [hbm4b:s5+s20], $0x20, s3, s20, $0xb8;
	[tilespmem:$0x10400] =	vst v63  }
0x2a: {  	s8 =	simm.s32 $0x280;
	s2 =	simm.s32 $0x5400;
	s3 =	sand.u32 $0x18, s4  }
0x2b: {  	v2 =	vmov s3;
	[tilespmem:s2], [sflag:$0x4] =	stream.indirect.gather [hbm4b:s5+s20], $0x20, s8, s20, $0xb8;
	[tilespmem:$0x10400] =	vst v63  }
0x2c: {  	s25 =	simm.s32 $0x8;
	s2 =	simm.s32 $0x0;
	v2 =	vshrl.u32 v2, $0x3  }
0x2d: {  	s8 =	sand.u32 $0x18, s25;
	s18 =	sand.u32 $0x1F0, s2;
	v2 =	vshll.u32 v2, v1  }
0x2e: {  	v11 =	vmov s8;
	v3 =	vmov s18;
	v4 =	vor.u32 $0x1, v2  }
0x2f: {  	v5 =	vor.u32 $0x7, v2;
	v6 =	vor.u32 $0x2, v2;
	v7 =	vor.u32 $0x3, v2  }
0x30: {  	s19 =	simm.s32 $0x300;
	p1 =	seq.s32 s9, $0x63;
	s4 =	simm.s32 $0x6400;
	v8 =	vor.u32 $0x4, v2;
	v9 =	vor.u32 $0x5, v2;
	v10 =	vor.u32 $0x6, v2  }
0x31: {  	[tilespmem:s4], [sflag:$0x4] =	stream.indirect.gather [hbm4b:s5+s20], $0x20, s19, s20, $0xb8;
	v2 =	vbroadcast v2, $0x0;
	v3 =	vshll.u32 v3, $0x5;
	v5 =	vbroadcast v5, $0x0;
	[tilespmem:$0x10400] =	vst v63  }
0x32: {  	s18 =	sadd.s32 @!p1 s9, s10;
	v11 =	vshrl.u32 v11, $0x3;
	v4 =	vbroadcast v4, $0x0;
	v3 =	vor.u32 v0, v3  }
0x33: {  	s23 =	simm.s32 $0x380;
	s24 =	simm.s32 $0x7400;
	v6 =	vbroadcast v6, $0x0;
	v7 =	vbroadcast v7, $0x0;
	s0 =	sshll.u32 @!p1 s18, $0x7;
	v5 =	vor.u32 v3, v5  }
0x34: {  	v8 =	vbroadcast v8, $0x0;
	v9 =	vbroadcast v9, $0x0;
	[tilespmem:s24], [sflag:$0x4] =	stream.indirect.gather [hbm4b:s5+s20], $0x20, s23, s20, $0xb8;
	v4 =	vor.u32 v3, v4;
	[tilespmem:$0x10400] =	vst v63  }
0x35: {  	s4 =	rddreg [dreg:$0x0];
	v10 =	vbroadcast v10, $0x0;
	v11 =	vshll.u32 v11, v1;
	s18 =	sand.u32 @!p1 $0xFFFFF80, s0;
	s0 =	simm.s32 $0x4;
	v6 =	vor.u32 v3, v6  }
0x36: {  	s19 =	simm.s32 @!p1 $0x0;
	v13 =	vor.u32 $0x7, v11;
	v14 =	vor.u32 $0x1, v11;
	v7 =	vor.u32 v3, v7;
	s18 =	sadd.s32 @!p1 s4, s18;
	s23 =	sand.u32 $0x1F0, s0  }
0x37: {  	v15 =	vor.u32 $0x2, v11;
	v8 =	vor.u32 v3, v8;
	[tilespmem:s19], [sflag:$0x1] =	stream.linear.gather @!p1 [hbm4b:s18+s19], $0x200, $0x38;
	v12 =	vmov s23;
	[tilespmem:$0x10400] =	vst v63  }
0x38: {  	v9 =	vor.u32 v3, v9;
	v13 =	vbroadcast v13, $0x0;
	v12 =	vshll.u32 v12, $0x5;
	v5 =	vld.idx.msk [tilespmem:v5+s21+$0x0], $0xffff  }
0x39: {  	v16 =	vor.u32 $0x3, v11;
	v10 =	vor.u32 v3, v10;
	v12 =	vor.u32 v0, v12;
	v4 =	vld.idx.msk [tilespmem:v4+s21+$0x0], $0xffff  }
0x3a: {  	s26 =	simm.s32 $0x0;
	v17 =	vor.u32 $0x4, v11;
	v18 =	vor.u32 $0x5, v11;
	v13 =	vor.u32 v12, v13;
	v6 =	vld.idx.msk [tilespmem:v6+s21+$0x0], $0xffff  }
0x3b: {  	s28 =	sand.u32 $0xC00, s26;
	s24 =	sand.u32 $0x3000, s2;
	v20 =	vbroadcast v11, $0x0;
	v14 =	vbroadcast v14, $0x0;
	v2 =	vor.u32 v2, v3;
	v7 =	vld.idx.msk [tilespmem:v7+s21+$0x0], $0xffff  }
0x3c: {  	v19 =	vor.u32 $0x6, v11;
	s2 =	sand.u32 $0x70, s2;
	v15 =	vbroadcast v15, $0x0;
	s25 =	sor.u32 s28, s24;
	v3 =	vbroadcast v16, $0x0;
	s18 =	simm.s32 $0x10;
	v8 =	vld.idx.msk [tilespmem:v8+s21+$0x0], $0xffff  }
0x3d: {  	v16 =	vbroadcast v17, $0x0;
	v17 =	vbroadcast v18, $0x0;
	s4 =	sor.u32 s2, s25;
	s24 =	sand.u32 $0x18, s18;
	v14 =	vor.u32 v12, v14;
	v9 =	vld.idx.msk [tilespmem:v9+s21+$0x0], $0xffff  }
0x3e: {  	v18 =	vbroadcast v19, $0x0;
	s25 =	simm.s32 $0x8;
	v19 =	vld.idx.msk [tilespmem:v10+s21+$0x0], $0xffff;
	v10 =	vor.u32 v12, v15;
	[tilespmem:s4+$0x8780] =	vst v5;
	v5 =	vmov s24  }
0x3f: {  	s3 =	sshll.u32 s3, $0x9;
	s26 =	sand.u32 $0x1F0, s25;
	v21 =	vor.u32 v12, v3;
	v22 =	vor.u32 v12, v16;
	v23 =	vld.idx.msk [tilespmem:v13+s21+$0x0], $0xffff;
	[tilespmem:s4+$0x8480] =	vst v4;
	v4 =	vshrl.u32 v5, $0x3  }
0x40: {  	s3 =	sor.u32 s28, s3;
	[tilespmem:s4+$0x8500] =	vst v6;
	v6 =	vld.idx.msk [tilespmem:v2+s21+$0x0], $0xffff;
	v2 =	vmov s26;
	v5 =	vor.u32 v12, v17;
	v3 =	vshll.u32 v4, v1  }
0x41: {  	s8 =	sshll.u32 s8, $0x9;
	s28 =	simm.s32 $0x20;
	s23 =	simm.s32 $0x1000;
	[tilespmem:s4+$0x8580] =	vst v7;
	v2 =	vshll.u32 v2, $0x5;
	v4 =	vor.u32 v12, v18;
	v11 =	vor.u32 $0x7, v3  }
0x42: {  	s3 =	sor.u32 s2, s3;
	s19 =	sand.u32 $0xC00, s28;
	v7 =	vld.idx.msk [tilespmem:v14+s21+$0x0], $0xffff;
	s26 =	sand.u32 $0x3000, s23;
	[tilespmem:s4+$0x8600] =	vst v8;
	v2 =	vor.u32 v0, v2;
	v12 =	vor.u32 v20, v12;
	v11 =	vbroadcast v11, $0x0  }
0x43: {  	s0 =	sand.u32 $0x70, s0;
	s28 =	sor.u32 s19, s8;
	v10 =	vld.idx.msk [tilespmem:v10+s21+$0x0], $0xffff;
	[tilespmem:s4+$0x8680] =	vst v9;
	s2 =	sor.u32 s19, s26;
	v17 =	vor.u32 $0x1, v3;
	v24 =	vor.u32 $0x2, v3;
	v15 =	vor.u32 $0x3, v3  }
0x44: {  	s8 =	simm.s32 $0x80;
	s24 =	sshll.u32 s24, $0x9;
	v8 =	vld.idx.msk [tilespmem:v21+s21+$0x0], $0xffff;
	[tilespmem:s4+$0x8700] =	vst v19;
	s26 =	sor.u32 s0, s2;
	v13 =	vor.u32 $0x4, v3;
	v16 =	vor.u32 $0x5, v3;
	v11 =	vor.u32 v2, v11  }
0x45: {  	v9 =	vld.idx.msk [tilespmem:v22+s21+$0x0], $0xffff;
	s19 =	sadd.s32 s6, s9;
	s2 =	sor.u32 s0, s28;
	s0 =	simm.s32 $0x8;
	v14 =	vor.u32 $0x6, v3;
	v18 =	vbroadcast v17, $0x0;
	v17 =	vbroadcast v24, $0x0;
	[tilespmem:s26+$0x8780] =	vst v23  }
.LBB2_3:
0x46: {  	s18 =	sadd.s32 $0x8, s18;
	v15 =	vbroadcast v15, $0x0;
	v13 =	vbroadcast v13, $0x0;
	v19 =	vld.idx.msk [tilespmem:v5+s21+$0x0], $0xffff;
	[tilespmem:s3+$0x8400] =	vst v6;
	s3 =	smov.u32 s2  }
0x47: {  	v5 =	vbroadcast v16, $0x0;
	v6 =	vbroadcast v14, $0x0;
	s2 =	sand.u32 $0x18, s18;
	p1 =	slt.u32 s18, $0x3F8;
	v18 =	vor.u32 v2, v18;
	v20 =	vld.idx.msk [tilespmem:v4+s21+$0x0], $0xffff  }
0x48: {  	v21 =	vbroadcast v3, $0x0;
	v14 =	vor.u32 v2, v17;
	v4 =	vmov s2;
	s4 =	sshll.u32 s2, $0x9;
	[tilespmem:s26+$0x8480] =	vst v7  }
0x49: {  	s25 =	sadd.s32 $0x4, s25;
	v17 =	vor.u32 v2, v15;
	v22 =	vor.u32 v2, v13;
	v3 =	vshrl.u32 v4, $0x3;
	v23 =	vld.idx.msk [tilespmem:v11+s21+$0x0], $0xffff;
	[tilespmem:s26+$0x8500] =	vst v10  }
0x4a: {  	s8 =	sadd.s32 $0x80, s8;
	s2 =	sand.u32 $0x1F0, s25;
	v5 =	vor.u32 v2, v5;
	v4 =	vor.u32 v2, v6;
	v3 =	vshll.u32 v3, v1;
	v6 =	vld.idx.msk [tilespmem:v12+s21+$0x0], $0xffff  }
.Ltmp0:
0x4b: {  	s23 =	sadd.s32 $0x1000, s23;
	v7 =	vmov s2;
	s2 =	sshrl.u32 s8, $0x2;
	v12 =	vor.u32 $0x1, v3;
	v10 =	vor.u32 $0x7, v3;
	[tilespmem:s26+$0x8580] =	vst v8;
	(pc) =	sbr.rel @p1 .LBB2_3-.Ltmp0, $4  }
0x4c: {  	s28 =	sand.u32 $0x3000, s23;
	s2 =	sand.u32 $0xC00, s2;
	v8 =	vshll.u32 v7, $0x5;
	v24 =	vor.u32 $0x2, v3;
	v11 =	vbroadcast v10, $0x0;
	v7 =	vld.idx.msk [tilespmem:v18+s21+$0x0], $0xffff;
	[tilespmem:s26+$0x8600] =	vst v9  }
0x4d: {  	s0 =	sand.u32 $0x70, s0;
	v15 =	vor.u32 $0x3, v3;
	v13 =	vor.u32 $0x4, v3;
	s24 =	sor.u32 s2, s24;
	s28 =	sor.u32 s2, s28;
	v25 =	vor.u32 v0, v8;
	v10 =	vld.idx.msk [tilespmem:v14+s21+$0x0], $0xffff;
	[tilespmem:s26+$0x8680] =	vst v19  }
0x4e: {  	v16 =	vor.u32 $0x5, v3;
	s2 =	sor.u32 s0, s24;
	s24 =	smov.u32 s4;
	v14 =	vor.u32 $0x6, v3;
	v11 =	vor.u32 v25, v11;
	v8 =	vld.idx.msk [tilespmem:v17+s21+$0x0], $0xffff;
	[tilespmem:s26+$0x8700] =	vst v20;
	s26 =	sor.u32 s0, s28  }
0x4f: {  	v18 =	vbroadcast v12, $0x0;
	v12 =	vor.u32 v21, v2;
	v2 =	vmovc v25;
	v17 =	vbroadcast v24, $0x0;
	s0 =	smov.u32 s25;
	v9 =	vld.idx.msk [tilespmem:v22+s21+$0x0], $0xffff;
	[tilespmem:s26+$0x8780] =	vst v23  }
0x50: {  	_ =	sdelay $0x2  }
0x51: {  	v15 =	vbroadcast v15, $0x0;
	v18 =	vor.u32 v2, v18  }
0x52: {  	v13 =	vbroadcast v13, $0x0;
	v5 =	vld.idx.msk [tilespmem:v5+s21+$0x0], $0xffff;
	[tilespmem:s3+$0x8400] =	vst v6;
	v6 =	vor.u32 v2, v17  }
0x53: {  	v16 =	vbroadcast v16, $0x0;
	v4 =	vld.idx.msk [tilespmem:v4+s21+$0x0], $0xffff;
	[tilespmem:s26+$0x8480] =	vst v7;
	v7 =	vor.u32 v2, v15  }
0x54: {  	v14 =	vbroadcast v14, $0x0;
	v11 =	vld.idx.msk [tilespmem:v11+s21+$0x0], $0xffff;
	s25 =	sadd.s32 $0x80, s8;
	v13 =	vor.u32 v2, v13;
	[tilespmem:s26+$0x8500] =	vst v10  }
0x55: {  	v3 =	vbroadcast v3, $0x0;
	v12 =	vld.idx.msk [tilespmem:v12+s21+$0x0], $0xffff;
	s4 =	sadd.s32 $0x1000, s23;
	s3 =	sshrl.u32 s25, $0x2;
	v10 =	vor.u32 v2, v16;
	[tilespmem:s26+$0x8580] =	vst v8  }
0x56: {  	s4 =	sand.u32 $0x3000, s4;
	s3 =	sand.u32 $0xC00, s3;
	v8 =	vor.u32 v2, v14;
	[tilespmem:s26+$0x8600] =	vst v9;
	v14 =	vld.idx.msk [tilespmem:v18+s21+$0x0], $0xffff  }
0x57: {  	s0 =	sand.u32 $0x70, s0;
	s4 =	sor.u32 s3, s4;
	v2 =	vor.u32 v3, v2;
	[tilespmem:s26+$0x8680] =	vst v5;
	v6 =	vld.idx.msk [tilespmem:v6+s21+$0x0], $0xffff  }
0x58: {  	s4 =	sor.u32 s0, s4;
	[tilespmem:s26+$0x8700] =	vst v4;
	v3 =	vld.idx.msk [tilespmem:v7+s21+$0x0], $0xffff  }
0x59: {  	[tilespmem:s4+$0x8780] =	vst v11;
	v4 =	vld.idx.msk [tilespmem:v13+s21+$0x0], $0xffff  }
0x5a: {  	[tilespmem:s2+$0x8400] =	vst v12;
	v5 =	vld.idx.msk [tilespmem:v10+s21+$0x0], $0xffff  }
0x5b: {  	v7 =	vld.idx.msk [tilespmem:v8+s21+$0x0], $0xffff;
	[tilespmem:s4+$0x8480] =	vst v14  }
0x5c: {  	v2 =	vld.idx.msk [tilespmem:v2+s21+$0x0], $0xffff;
	[tilespmem:s4+$0x8500] =	vst v6  }
0x5d: {  	[tilespmem:s4+$0x8580] =	vst v3  }
0x5e: {  	s28 =	sshll.u32 s19, $0x7;
	s26 =	sshll.u32 s19, $0xC;
	[tilespmem:s4+$0x8600] =	vst v4  }
0x5f: {  	s8 =	sand.u32 $0x3F80, s28;
	s3 =	sor.u32 s3, s24;
	s2 =	sand.u32 $0xFF80000, s26;
	[tilespmem:s4+$0x8680] =	vst v5  }
0x60: {  	s0 =	sor.u32 s0, s3;
	s18 =	sor.u32 s8, s2;
	s2 =	rddreg [dreg:$0x2];
	[tilespmem:s4+$0x8700] =	vst v7  }
0x61: {  	s3 =	simm.s32 $0x8400;
	[tilespmem:s0+$0x8400] =	vst v2;
	s0 =	sadd.s32 s2, s18  }
0x62: {  	[hbm4b:s0+s21] =	stream.strided.scatter [tilespmem:s3], [sflag:$0x5], $0x1000, s22, s21, $0x38;
	[tilespmem:$0x10400] =	vst v63  }
0x63: {  	s8 =	simm.s32 $0x9400;
	s4 =	sadd.s32 s18, s11  }
0x64: {  	[hbm4b:s4+s21] =	stream.strided.scatter [tilespmem:s8], [sflag:$0x5], $0x1000, s22, s21, $0x38;
	[tilespmem:$0x10400] =	vst v63  }
0x65: {  	s23 =	simm.s32 $0xA400;
	s19 =	sadd.s32 s18, s12  }
0x66: {  	[hbm4b:s19+s21] =	stream.strided.scatter [tilespmem:s23], [sflag:$0x5], $0x1000, s22, s21, $0x38;
	[tilespmem:$0x10400] =	vst v63  }
0x67: {  	s25 =	simm.s32 $0xB400;
	s24 =	sadd.s32 s18, s13  }
0x68: {  	[hbm4b:s24+s21] =	stream.strided.scatter [tilespmem:s25], [sflag:$0x5], $0x1000, s22, s21, $0x38;
	[tilespmem:$0x10400] =	vst v63  }
0x69: {  	_ =	swait.ge [sflag:s1], $0x4000  }
0x6a: {  	[sflag:s1] =	ssyncset.done $0x0  }
0x6b: {  	s0 =	simm.s32 @!p0 $0x6;
	[sflag:s1] =	ssyncadd.s32 $0xFFFFC000  }
0x6c: {  	_ =	swait.ge @!p0 [sflag:s0], $0x4000  }
0x6d: {  	p1 =	seq.s32 @!p0 s9, $0x63;
	[sflag:s0] =	ssyncset.done @!p0 $0x0  }
0x6e: {  	p1 =	por p0, !p1;
	[sflag:s0] =	ssyncadd.s32 @!p0 $0xFFFFC000  }
0x6f: {  	_ =	swait.ge @p1 [sflag:s7], $0x200  }
0x70: {  	[sflag:s7] =	ssyncset.done @p1 $0x0  }
0x71: {  	s2 =	simm.s32 @p1 $0x0;
	[sflag:s7] =	ssyncadd.s32 @p1 $0xFFFFFE00  }
0x72: {  	[tilespmem:s21], [sflag:$0x3] =	stream.indirect.gather @p1 [hbm4b:s5+s20], $0x20, s2, s20, $0xb8;
	[tilespmem:$0x10400] =	vst v63  }
0x73: {  	s0 =	simm.s32 @p1 $0x1400  }
0x74: {  	[tilespmem:s0], [sflag:$0x3] =	stream.indirect.gather @p1 [hbm4b:s5+s20], $0x20, s20, s20, $0xb8;
	[tilespmem:$0x10400] =	vst v63  }
0x75: {  	s3 =	simm.s32 @p1 $0x2400;
	s0 =	simm.s32 @p1 $0x100  }
0x76: {  	[tilespmem:s3], [sflag:$0x3] =	stream.indirect.gather @p1 [hbm4b:s5+s20], $0x20, s0, s20, $0xb8;
	[tilespmem:$0x10400] =	vst v63  }
0x77: {  	s0 =	simm.s32 @p1 $0x180;
	s3 =	simm.s32 @p1 $0x3400  }
0x78: {  	[tilespmem:s3], [sflag:$0x3] =	stream.indirect.gather @p1 [hbm4b:s5+s20], $0x20, s0, s20, $0xb8;
	[tilespmem:$0x10400] =	vst v63  }
0x79: {  	s0 =	sadd.s32 @p1 s9, s10  }
0x7a: {  	s28 =	simm.s32 $0x0;
	s0 =	sshll.u32 @p1 s0, $0x7  }
0x7b: {  	s26 =	simm.s32 $0x0;
	s3 =	rddreg @p1 [dreg:$0x5];
	s0 =	sand.u32 @p1 $0xFFFFF80, s0  }
0x7c: {  	s4 =	sand.u32 $0x1F0, s28;
	s0 =	sadd.s32 @p1 s0, s3;
	s3 =	simm.s32 @p1 $0x200  }
0x7d: {  	[tilespmem:s3], [sflag:$0x2] =	stream.linear.gather @p1 [hbm4b:s0+s2], $0x200, $0x38;
	[tilespmem:$0x10400] =	vst v63  }
0x7e: {  	s8 =	simm.s32 $0x8;
	v3 =	vmov s4;
	s0 =	sand.u32 $0x18, s26  }
0x7f: {  	v3 =	vshll.u32 v3, $0x5;
	s2 =	sand.u32 $0x18, s8;
	s8 =	simm.s32 $0x4;
	v2 =	vmov s0  }
0x80: {  	v3 =	vor.u32 v0, v3;
	v11 =	vmov s2;
	s19 =	sand.u32 $0x1F0, s8;
	v2 =	vshrl.u32 v2, $0x3  }
0x81: {  	v11 =	vshrl.u32 v11, $0x3;
	v12 =	vmov s19;
	v2 =	vshll.u32 v2, v1  }
0x82: {  	v11 =	vshll.u32 v11, v1;
	v12 =	vshll.u32 v12, $0x5;
	v5 =	vor.u32 $0x7, v2  }
0x83: {  	v4 =	vor.u32 $0x1, v2;
	v6 =	vor.u32 $0x2, v2;
	v5 =	vbroadcast v5, $0x0  }
0x84: {  	v7 =	vor.u32 $0x3, v2;
	v8 =	vor.u32 $0x4, v2;
	v4 =	vbroadcast v4, $0x0  }
0x85: {  	v9 =	vor.u32 $0x5, v2;
	v6 =	vbroadcast v6, $0x0;
	v5 =	vor.u32 v3, v5  }
0x86: {  	v10 =	vor.u32 $0x6, v2;
	v7 =	vbroadcast v7, $0x0;
	v4 =	vor.u32 v3, v4  }
0x87: {  	v2 =	vbroadcast v2, $0x0;
	v8 =	vbroadcast v8, $0x0;
	v6 =	vor.u32 v3, v6  }
0x88: {  	v13 =	vor.u32 $0x7, v11;
	v9 =	vbroadcast v9, $0x0;
	v7 =	vor.u32 v3, v7  }
0x89: {  	v14 =	vor.u32 $0x1, v11;
	v10 =	vbroadcast v10, $0x0;
	v8 =	vor.u32 v3, v8  }
0x8a: {  	v15 =	vor.u32 $0x2, v11;
	v13 =	vbroadcast v13, $0x0;
	v9 =	vor.u32 v3, v9;
	v5 =	vld.idx.msk [tilespmem:v5+s31+$0x0], $0xffff  }
0x8b: {  	v12 =	vor.u32 v0, v12;
	v16 =	vor.u32 $0x3, v11;
	v10 =	vor.u32 v3, v10;
	v4 =	vld.idx.msk [tilespmem:v4+s31+$0x0], $0xffff  }
0x8c: {  	s23 =	simm.s32 $0x0;
	v17 =	vor.u32 $0x4, v11;
	v18 =	vor.u32 $0x5, v11;
	v13 =	vor.u32 v12, v13;
	v6 =	vld.idx.msk [tilespmem:v6+s31+$0x0], $0xffff  }
0x8d: {  	s4 =	sand.u32 $0xC00, s23;
	s24 =	sand.u32 $0x3000, s28;
	v20 =	vbroadcast v11, $0x0;
	v14 =	vbroadcast v14, $0x0;
	v2 =	vor.u32 v2, v3;
	v7 =	vld.idx.msk [tilespmem:v7+s31+$0x0], $0xffff  }
0x8e: {  	s25 =	sor.u32 s4, s24;
	s3 =	sand.u32 $0x70, s28;
	s19 =	simm.s32 $0x10;
	v19 =	vor.u32 $0x6, v11;
	v15 =	vbroadcast v15, $0x0;
	v3 =	vbroadcast v16, $0x0;
	v8 =	vld.idx.msk [tilespmem:v8+s31+$0x0], $0xffff  }
0x8f: {  	s28 =	sor.u32 s3, s25;
	s24 =	sand.u32 $0x18, s19;
	v16 =	vbroadcast v17, $0x0;
	v14 =	vor.u32 v12, v14;
	v17 =	vbroadcast v18, $0x0;
	v9 =	vld.idx.msk [tilespmem:v9+s31+$0x0], $0xffff  }
0x90: {  	s25 =	simm.s32 $0x8;
	v18 =	vbroadcast v19, $0x0;
	v19 =	vld.idx.msk [tilespmem:v10+s31+$0x0], $0xffff;
	v10 =	vor.u32 v12, v15;
	[tilespmem:s28+$0xC780] =	vst v5;
	v5 =	vmov s24  }
0x91: {  	s26 =	sand.u32 $0x1F0, s25;
	v21 =	vor.u32 v12, v3;
	v22 =	vor.u32 v12, v16;
	v23 =	vld.idx.msk [tilespmem:v13+s31+$0x0], $0xffff;
	[tilespmem:s28+$0xC480] =	vst v4;
	v4 =	vshrl.u32 v5, $0x3  }
0x92: {  	s23 =	simm.s32 $0x1000;
	[tilespmem:s28+$0xC500] =	vst v6;
	v6 =	vld.idx.msk [tilespmem:v2+s31+$0x0], $0xffff;
	v2 =	vmov s26;
	v5 =	vor.u32 v12, v17;
	v3 =	vshll.u32 v4, v1  }
0x93: {  	s0 =	sshll.u32 s0, $0x9;
	s2 =	sshll.u32 s2, $0x9;
	s26 =	simm.s32 $0x20;
	[tilespmem:s28+$0xC580] =	vst v7;
	v2 =	vshll.u32 v2, $0x5;
	v4 =	vor.u32 v12, v18;
	v11 =	vor.u32 $0x7, v3  }
0x94: {  	s0 =	sor.u32 s4, s0;
	v7 =	vld.idx.msk [tilespmem:v14+s31+$0x0], $0xffff;
	[tilespmem:s28+$0xC600] =	vst v8;
	s4 =	sand.u32 $0xC00, s26;
	s26 =	sand.u32 $0x3000, s23;
	v2 =	vor.u32 v0, v2;
	v12 =	vor.u32 v20, v12;
	v11 =	vbroadcast v11, $0x0  }
0x95: {  	s3 =	sor.u32 s3, s0;
	s0 =	sand.u32 $0x70, s8;
	v10 =	vld.idx.msk [tilespmem:v10+s31+$0x0], $0xffff;
	[tilespmem:s28+$0xC680] =	vst v9;
	s26 =	sor.u32 s4, s26;
	v17 =	vor.u32 $0x1, v3;
	v24 =	vor.u32 $0x2, v3;
	v15 =	vor.u32 $0x3, v3  }
0x96: {  	s8 =	simm.s32 $0x80;
	v8 =	vld.idx.msk [tilespmem:v21+s31+$0x0], $0xffff;
	[tilespmem:s28+$0xC700] =	vst v19;
	s2 =	sor.u32 s4, s2;
	v14 =	vor.u32 $0x4, v3;
	v16 =	vor.u32 $0x5, v3;
	s26 =	sor.u32 s0, s26;
	v11 =	vor.u32 v2, v11  }
0x97: {  	s24 =	sshll.u32 s24, $0x9;
	v9 =	vld.idx.msk [tilespmem:v22+s31+$0x0], $0xffff;
	v13 =	vor.u32 $0x6, v3;
	s2 =	sor.u32 s0, s2;
	s0 =	simm.s32 $0x8;
	v18 =	vbroadcast v17, $0x0;
	v17 =	vbroadcast v24, $0x0;
	[tilespmem:s26+$0xC780] =	vst v23  }
.LBB2_5:
0x98: {  	s19 =	sadd.s32 $0x8, s19;
	v15 =	vbroadcast v15, $0x0;
	v14 =	vbroadcast v14, $0x0;
	v19 =	vld.idx.msk [tilespmem:v5+s31+$0x0], $0xffff;
	[tilespmem:s3+$0xC400] =	vst v6;
	s3 =	smov.u32 s2  }
0x99: {  	v5 =	vbroadcast v16, $0x0;
	v6 =	vbroadcast v13, $0x0;
	s2 =	sand.u32 $0x18, s19;
	p0 =	slt.u32 s19, $0x3F8;
	v18 =	vor.u32 v2, v18;
	v20 =	vld.idx.msk [tilespmem:v4+s31+$0x0], $0xffff  }
0x9a: {  	v21 =	vbroadcast v3, $0x0;
	v13 =	vor.u32 v2, v17;
	v4 =	vmov s2;
	s4 =	sshll.u32 s2, $0x9;
	[tilespmem:s26+$0xC480] =	vst v7  }
0x9b: {  	s25 =	sadd.s32 $0x4, s25;
	v17 =	vor.u32 v2, v15;
	v22 =	vor.u32 v2, v14;
	v3 =	vshrl.u32 v4, $0x3;
	v23 =	vld.idx.msk [tilespmem:v11+s31+$0x0], $0xffff;
	[tilespmem:s26+$0xC500] =	vst v10  }
0x9c: {  	s8 =	sadd.s32 $0x80, s8;
	s2 =	sand.u32 $0x1F0, s25;
	v5 =	vor.u32 v2, v5;
	v4 =	vor.u32 v2, v6;
	v3 =	vshll.u32 v3, v1;
	v6 =	vld.idx.msk [tilespmem:v12+s31+$0x0], $0xffff  }
.Ltmp1:
0x9d: {  	s23 =	sadd.s32 $0x1000, s23;
	v7 =	vmov s2;
	s2 =	sshrl.u32 s8, $0x2;
	v12 =	vor.u32 $0x1, v3;
	v10 =	vor.u32 $0x7, v3;
	[tilespmem:s26+$0xC580] =	vst v8;
	(pc) =	sbr.rel @p0 .LBB2_5-.Ltmp1, $4  }
0x9e: {  	s28 =	sand.u32 $0x3000, s23;
	s2 =	sand.u32 $0xC00, s2;
	v8 =	vshll.u32 v7, $0x5;
	v24 =	vor.u32 $0x2, v3;
	v11 =	vbroadcast v10, $0x0;
	v7 =	vld.idx.msk [tilespmem:v18+s31+$0x0], $0xffff;
	[tilespmem:s26+$0xC600] =	vst v9  }
0x9f: {  	s0 =	sand.u32 $0x70, s0;
	v15 =	vor.u32 $0x3, v3;
	v14 =	vor.u32 $0x4, v3;
	s24 =	sor.u32 s2, s24;
	s28 =	sor.u32 s2, s28;
	v25 =	vor.u32 v0, v8;
	v10 =	vld.idx.msk [tilespmem:v13+s31+$0x0], $0xffff;
	[tilespmem:s26+$0xC680] =	vst v19  }
0xa0: {  	v16 =	vor.u32 $0x5, v3;
	s2 =	sor.u32 s0, s24;
	s24 =	smov.u32 s4;
	v13 =	vor.u32 $0x6, v3;
	v11 =	vor.u32 v25, v11;
	v8 =	vld.idx.msk [tilespmem:v17+s31+$0x0], $0xffff;
	[tilespmem:s26+$0xC700] =	vst v20;
	s26 =	sor.u32 s0, s28  }
0xa1: {  	v18 =	vbroadcast v12, $0x0;
	v12 =	vor.u32 v21, v2;
	v2 =	vmovc v25;
	v17 =	vbroadcast v24, $0x0;
	s0 =	smov.u32 s25;
	v9 =	vld.idx.msk [tilespmem:v22+s31+$0x0], $0xffff;
	[tilespmem:s26+$0xC780] =	vst v23  }
0xa2: {  	_ =	sdelay $0x2  }
0xa3: {  	v15 =	vbroadcast v15, $0x0;
	v18 =	vor.u32 v2, v18  }
0xa4: {  	v14 =	vbroadcast v14, $0x0;
	v5 =	vld.idx.msk [tilespmem:v5+s31+$0x0], $0xffff;
	[tilespmem:s3+$0xC400] =	vst v6;
	v56 =	vor.u32 v2, v17  }
0xa5: {  	v16 =	vbroadcast v16, $0x0;
	v4 =	vld.idx.msk [tilespmem:v4+s31+$0x0], $0xffff;
	[tilespmem:s26+$0xC480] =	vst v7;
	v57 =	vor.u32 v2, v15  }
0xa6: {  	v13 =	vbroadcast v13, $0x0;
	v11 =	vld.idx.msk [tilespmem:v11+s31+$0x0], $0xffff;
	s28 =	sadd.s32 $0x80, s8;
	v14 =	vor.u32 v2, v14;
	[tilespmem:s26+$0xC500] =	vst v10  }
0xa7: {  	v3 =	vbroadcast v3, $0x0;
	v12 =	vld.idx.msk [tilespmem:v12+s31+$0x0], $0xffff;
	s4 =	sadd.s32 $0x1000, s23;
	s3 =	sshrl.u32 s28, $0x2;
	v58 =	vor.u32 v2, v16;
	[tilespmem:s26+$0xC580] =	vst v8  }
0xa8: {  	s4 =	sand.u32 $0x3000, s4;
	v59 =	vor.u32 v2, v13;
	s3 =	sand.u32 $0xC00, s3;
	[tilespmem:s26+$0xC600] =	vst v9;
	v60 =	vld.idx.msk [tilespmem:v18+s31+$0x0], $0xffff  }
0xa9: {  	s0 =	sand.u32 $0x70, s0;
	v2 =	vor.u32 v3, v2;
	s4 =	sor.u32 s3, s4;
	[tilespmem:s26+$0xC680] =	vst v5;
	v6 =	vld.idx.msk [tilespmem:v56+s31+$0x0], $0xffff  }
0xaa: {  	s4 =	sor.u32 s0, s4;
	[tilespmem:s26+$0xC700] =	vst v4;
	v3 =	vld.idx.msk [tilespmem:v57+s31+$0x0], $0xffff  }
0xab: {  	[tilespmem:s4+$0xC780] =	vst v11;
	v61 =	vld.idx.msk [tilespmem:v14+s31+$0x0], $0xffff  }
0xac: {  	[tilespmem:s2+$0xC400] =	vst v12;
	v62 =	vld.idx.msk [tilespmem:v58+s31+$0x0], $0xffff  }
0xad: {  	v63 =	vld.idx.msk [tilespmem:v59+s31+$0x0], $0xffff;
	[tilespmem:s4+$0xC480] =	vst v60  }
0xae: {  	v2 =	vld.idx.msk [tilespmem:v2+s31+$0x0], $0xffff;
	[tilespmem:s4+$0xC500] =	vst v6  }
0xaf: {  	[tilespmem:s4+$0xC580] =	vst v3  }
0xb0: {  	[tilespmem:s4+$0xC600] =	vst v61  }
0xb1: {  	s3 =	sor.u32 s3, s24;
	[tilespmem:s4+$0xC680] =	vst v62  }
0xb2: {  	s0 =	sor.u32 s0, s3;
	[tilespmem:s4+$0xC700] =	vst v63  }
0xb3: {  	s8 =	simm.s32 $0xC400;
	s9 =	sadd.s32 $0x1, s9;
	[tilespmem:s0+$0xC400] =	vst v2;
	s4 =	sadd.s32 s18, s14  }
0xb4: {  	[hbm4b:s4+s21] =	stream.strided.scatter [tilespmem:s8], [sflag:$0x6], $0x1000, s22, s21, $0x38;
	[tilespmem:$0x10400] =	vst v63  }
0xb5: {  	s19 =	sadd.s32 s18, s15;
	s23 =	simm.s32 $0xD400;
	p0 =	sne.s32 s9, $0x64  }
0xb6: {  	[hbm4b:s19+s21] =	stream.strided.scatter [tilespmem:s23], [sflag:$0x6], $0x1000, s22, s21, $0x38;
	[tilespmem:$0x10400] =	vst v63  }
.Ltmp2:
0xb7: {  	_ = 	snop;
	(pc) =	sbr.rel @p0 .LBB2_2-.Ltmp2, $4  }
0xb8: {  	s25 =	simm.s32 $0xE400;
	s24 =	sadd.s32 s18, s16  }
0xb9: {  	[hbm4b:s24+s21] =	stream.strided.scatter [tilespmem:s25], [sflag:$0x6], $0x1000, s22, s21, $0x38;
	[tilespmem:$0x10400] =	vst v63  }
0xba: {  	s28 =	simm.s32 $0xF400;
	s26 =	sadd.s32 s18, s17  }
0xbb: {  	[hbm4b:s26+s21] =	stream.strided.scatter [tilespmem:s28], [sflag:$0x6], $0x1000, s22, s21, $0x38;
	[tilespmem:$0x10400] =	vst v63  }
0xbc: {  	s0 =	simm.s32 $0x5  }
0xbd: {  	_ =	swait.ge [sflag:s0], $0x4000  }
0xbe: {  	[sflag:s0] =	ssyncset.done $0x0  }
0xbf: {  	s2 =	simm.s32 $0x6;
	[sflag:s0] =	ssyncadd.s32 $0xFFFFC000  }
0xc0: {  	_ =	swait.ge [sflag:s2], $0x4000  }
0xc1: {  	s3 =	rddreg [dreg:$0x8]  }
0xc2: {  	s28 =	rddreg [dreg:$0x7];
	s3 =	sadd.s32 $0x1, s3  }
0xc3: {  	p0 =	sne.s32 s3, s28  }
.Ltmp3:
0xc4: {  	_ = 	snop;
	(pc) =	sbr.rel @p0 .LBB2_1-.Ltmp3, $3  }
0xc5: {  	_ =	sdelay $0x1  }
0xc6: {  	[sflag:s2] =	ssyncset.done $0x0  }
0xc7: {  	[sflag:s2] =	ssyncadd.s32 $0xFFFFC000  }
0xc8: {  	_ =	sfence.sel $0x180000  }
0xc9: {  	[bflag:$0x0] =	sbarrier.arrive $0xFFFF  }
0xca: {  	_ =	strace $0x90000047  }
0xcb: {  	s0 =	stileid.u32;
	[bflag:$0x2] =	sbarrier.arrive $0xFFFF  }
0xcc: {  	p0 =	sne.s32 s0, $0x0;
	s0 =	rddreg [dreg:$0x3]  }
0xcd: {  	s0 =	sadd.s32 @!p0 $0x100000, s0  }
0xce: {  	[sflag:s0] =	ssyncadd.tile.s32 @!p0 $0x1;
	_ =	shalt  }
.Lfunc_end2:
_tile_overlayer_lowered:
.L_overlay_start_2:
0xcf: {  	(tag) =	ssettag $0x2  }
0xd0: {  	s0 =	rddreg [dreg:$0x0];
	s2 =	stileid.u32  }
0xd1: {  	s1 =	rddreg [dreg:$0x1];
	p0 =	sne.s32 s2, $0x0  }
0xd2: {  	s3 =	rddreg [dreg:$0x2];
	[bflag:$0x3] =	sbarrier.arrive $0xFFFF;
	s2 =	simm.s32 @!p0 $0x1C07  }
0xd3: {  	[timem:s3], [sflag:s2] =	dma.local @!p0 [hbm:s0], s1  }
0xd4: {  	s0 =	simm.s32 @!p0 $0x7  }
0xd5: {  	_ =	swait.ge @!p0 [sflag:s0], s1  }
0xd6: {  	s1 =	ssub.s32 @!p0 $0x0, s1;
	[sflag:s0] =	ssyncset.done @!p0 $0x0  }
0xd7: {  	[sflag:s0] =	ssyncadd.s32 @!p0 s1  }
0xd8: {  	[bflag:$0x3] =	sbarrier.arrive $0xFFFF  }
0xd9: {  	_ =	shalt  }

</sc_bundles>
